<compile_context>
chip_gen: v7x
topology: tpu7x:2x2x1
jax: 0.10.2.dev20260603
libtpu: 0.0.44.dev20260713+nightly
codegen_flags: <defaults>
</compile_context>

<pallas_src>
import functools

import jax
import jax.numpy as jnp
from jax import lax
from jax.experimental import pallas as pl
from jax.experimental.pallas import tpu as pltpu
from jax.experimental.pallas import tpu_sc as plsc

_NUM_VERTS = 642
_NUM_FACES = 1280
_UV_MAP = 1001
_VP = 648

_NC = 2
_NS = 16
_NW = _NC * _NS
_L = 16
_PB = 2048


def _uv3d_rows(u, v):
    phi = (2.0 * jnp.pi) * (u - 0.5)
    theta = jnp.pi * (v - 0.5)
    ct = jnp.cos(theta)
    return ct * jnp.cos(phi), ct * jnp.sin(phi), jnp.sin(theta)




def _tca_body(uv_ref, uvv_ref, faces_ref, verts_ref,
              uvrows_ref, idx_ref, vt3d_ref, faces_t_ref, verts_t_ref):
    uvt = jnp.transpose(uv_ref[...], (1, 0))
    uvrows_ref[...] = uvt[None]
    u = uvt[0:1, :]
    v = uvt[1:2, :]
    xi = jnp.clip(jnp.round(u * 1000.0).astype(jnp.int32), 0, _UV_MAP - 1)
    yi = jnp.clip(jnp.round(v * 1000.0).astype(jnp.int32), 0, _UV_MAP - 1)
    idx_ref[...] = (yi * _UV_MAP + xi).reshape(_PB // 128, 128)

    @pl.when(pl.program_id(0) == 0)
    def _():
        t = jnp.transpose(uvv_ref[...], (1, 0))
        x, y, z = _uv3d_rows(t[0:1, :], t[1:2, :])
        r = jnp.concatenate([x, y, z], axis=0)
        vt3d_ref[...] = jnp.pad(r, ((0, 0), (0, _VP - _NUM_VERTS)))
        faces_t_ref[...] = jnp.transpose(faces_ref[...], (1, 0))
        verts_t_ref[...] = jnp.pad(
            jnp.transpose(verts_ref[...], (1, 0)),
            ((0, 0), (0, _VP - _NUM_VERTS)))


def _tca_call(uv, uv_verts, faces, verts):
    n = uv.shape[0]
    nblk = n // _PB
    return pl.pallas_call(
        _tca_body,
        grid=(nblk,),
        in_specs=[
            pl.BlockSpec((_PB, 2), lambda k: (k, 0)),
            pl.BlockSpec((_NUM_VERTS, 2), lambda k: (0, 0)),
            pl.BlockSpec((_NUM_FACES, 3), lambda k: (0, 0)),
            pl.BlockSpec((_NUM_VERTS, 3), lambda k: (0, 0)),
        ],
        out_specs=[
            pl.BlockSpec((1, 2, _PB), lambda k: (k, 0, 0)),
            pl.BlockSpec((_PB // 128, 128), lambda k: (k, 0)),
            pl.BlockSpec((3, _VP), lambda k: (0, 0)),
            pl.BlockSpec((3, _NUM_FACES), lambda k: (0, 0)),
            pl.BlockSpec((3, _VP), lambda k: (0, 0)),
        ],
        out_shape=[
            jax.ShapeDtypeStruct((nblk, 2, _PB), jnp.float32),
            jax.ShapeDtypeStruct((n // 128, 128), jnp.int32),
            jax.ShapeDtypeStruct((3, _VP), jnp.float32),
            jax.ShapeDtypeStruct((3, _NUM_FACES), jnp.int32),
            jax.ShapeDtypeStruct((3, _VP), jnp.float32),
        ],
    )(uv, uv_verts, faces, verts)




def _sc_gather_call(idx_fat, uvrows, face_inds_flat, faces, verts, vt3d, n):
    np_per = n // _NW
    rows_per = np_per // 128
    mesh = plsc.VectorSubcoreMesh(
        core_axis_name="c", subcore_axis_name="s",
        num_cores=_NC, num_subcores=_NS)

    @functools.partial(
        pl.kernel,
        out_type=[
            jax.ShapeDtypeStruct((_NW, 3, np_per), jnp.int32),
            jax.ShapeDtypeStruct((_NW, 9, 8, np_per // 8), jnp.float32),
            jax.ShapeDtypeStruct((_NW, 9, 8, np_per // 8), jnp.float32),
            jax.ShapeDtypeStruct((_NW, 2, 8, np_per // 8), jnp.float32),
        ],
        mesh=mesh,
        compiler_params=pltpu.CompilerParams(needs_layout_passes=False),
        scratch_types=[
            pltpu.VMEM((rows_per, 128), jnp.int32),
            pltpu.VMEM((2, np_per), jnp.float32),
            pltpu.VMEM((np_per,), jnp.int32),
            pltpu.VMEM((3, _NUM_FACES), jnp.int32),
            pltpu.VMEM((3, _VP), jnp.float32),
            pltpu.VMEM((3, _VP), jnp.float32),
            pltpu.VMEM((3, np_per), jnp.int32),
            pltpu.VMEM((9, 8, np_per // 8), jnp.float32),
            pltpu.VMEM((9, 8, np_per // 8), jnp.float32),
            pltpu.VMEM((2, 8, np_per // 8), jnp.float32),
            pltpu.SemaphoreType.DMA,
        ],
    )
    def sc_kernel(idx_hbm, uvr_hbm, tab_hbm, faces_hbm, verts_hbm, vt3d_hbm,
                  fvi_hbm, fv_hbm, fvt_hbm, uv8_hbm,
                  idx_v, uvr_v, fi_v, faces_v, verts_v, vt3d_v,
                  fvi_o, fv_o, fvt_o, uv8_o, sem):
        wid = lax.axis_index("s") * _NC + lax.axis_index("c")
        pltpu.sync_copy(idx_hbm.at[pl.ds(wid * rows_per, rows_per)], idx_v)
        pltpu.sync_copy(uvr_hbm.at[wid], uvr_v)
        pltpu.sync_copy(faces_hbm, faces_v)
        pltpu.sync_copy(verts_hbm, verts_v)
        pltpu.sync_copy(vt3d_hbm, vt3d_v)

        copies = []
        for r in range(rows_per):
            copies.append(pltpu.async_copy(
                tab_hbm.at[idx_v.at[r]],
                fi_v.at[pl.ds(r * 128, 128)], sem))
        for cp in copies:
            cp.wait()

        col0 = jnp.zeros((_L,), jnp.int32)
        col1 = jnp.ones((_L,), jnp.int32)
        col2 = jnp.full((_L,), 2, jnp.int32)
        cols = (col0, col1, col2)

        lpg = (np_per // 8) // _L

        def body(i, carry):
            f = fi_v[pl.ds(i * _L, _L)]
            sidx = i // lpg
            l0 = (i % lpg) * _L
            uv8_o[0, sidx, pl.ds(l0, _L)] = uvr_v[0, pl.ds(i * _L, _L)]
            uv8_o[1, sidx, pl.ds(l0, _L)] = uvr_v[1, pl.ds(i * _L, _L)]
            for j in range(3):
                vj = plsc.load_gather(faces_v, [cols[j], f])
                fvi_o[j, pl.ds(i * _L, _L)] = vj
                for c in range(3):
                    val = plsc.load_gather(verts_v, [cols[c], vj])
                    fv_o[3 * j + c, sidx, pl.ds(l0, _L)] = val
                for c in range(3):
                    val = plsc.load_gather(vt3d_v, [cols[c], vj])
                    fvt_o[3 * j + c, sidx, pl.ds(l0, _L)] = val
            return carry

        lax.fori_loop(0, np_per // _L, body, 0)

        pltpu.sync_copy(fvi_o, fvi_hbm.at[wid])
        pltpu.sync_copy(fv_o, fv_hbm.at[wid])
        pltpu.sync_copy(fvt_o, fvt_hbm.at[wid])
        pltpu.sync_copy(uv8_o, uv8_hbm.at[wid])

    return sc_kernel(idx_fat, uvrows, face_inds_flat, faces, verts, vt3d)




def _cross(a, b):
    ax, ay, az = a
    bx, by, bz = b
    return (ay * bz - az * by, az * bx - ax * bz, ax * by - ay * bx)


def _norm3(a):
    ax, ay, az = a
    return jnp.sqrt(ax * ax + ay * ay + az * az)


def _sub(a, b):
    return (a[0] - b[0], a[1] - b[1], a[2] - b[2])


def _tcb_body(nblk, fvi_ref, fv_ref, fvt_ref, uv8_ref, feat_ref,
              p3d_ref, vlf_ref, cnt_s):
    p = pl.program_id(1)

    fvt = fvt_ref[...].reshape(9, 8, _PB // 8)
    pa = (fvt[0], fvt[1], fvt[2])
    pb3 = (fvt[3], fvt[4], fvt[5])
    pc = (fvt[6], fvt[7], fvt[8])
    uvr = uv8_ref[...].reshape(2, 8, _PB // 8)
    pt = _uv3d_rows(uvr[0], uvr[1])
    ab = _sub(pb3, pa)
    ac = _sub(pc, pa)
    bc = _sub(pc, pb3)
    ap = _sub(pt, pa)
    bp = _sub(pt, pb3)
    area_bac = _norm3(_cross(ab, ac))
    area_bap = _norm3(_cross(ab, ap))
    area_cap = _norm3(_cross(ac, ap))
    area_cbp = _norm3(_cross(bc, bp))
    w = area_bap / area_bac
    v = area_cap / area_bac
    u = area_cbp / area_bac
    denom = jnp.maximum(jnp.abs(u) + jnp.abs(v) + jnp.abs(w), 1e-12)
    u = u / denom
    v = v / denom
    w = w / denom

    fv = fv_ref[...].reshape(9, 8, _PB // 8)
    px = u * fv[0] + v * fv[3] + w * fv[6]
    py = u * fv[1] + v * fv[4] + w * fv[7]
    pz = u * fv[2] + v * fv[5] + w * fv[8]
    p3d_ref[...] = jnp.concatenate(
        [px[None], py[None], pz[None]], axis=0)[None]

    fvi = fvi_ref[...].reshape(3, _PB)
    vid = lax.broadcasted_iota(jnp.int32, (_VP, _PB), 0)
    wmat = ((vid == fvi[0:1, :]).astype(jnp.float32)
            + (vid == fvi[1:2, :]).astype(jnp.float32)
            + (vid == fvi[2:3, :]).astype(jnp.float32)).astype(jnp.bfloat16)

    feat = feat_ref[...].reshape(_PB, -1).astype(jnp.bfloat16)
    part = lax.dot_general(wmat, feat, (((1,), (0,)), ((), ())),
                           preferred_element_type=jnp.float32)
    ones8 = jnp.ones((_PB, 8), jnp.bfloat16)
    cnt8 = lax.dot_general(wmat, ones8, (((1,), (0,)), ((), ())),
                           preferred_element_type=jnp.float32)
    pcb = jnp.broadcast_to(cnt8[:, 0:1], (_VP, 128))

    partv = part[:_NUM_VERTS]
    pcbv = pcb[:_NUM_VERTS]

    @pl.when(p == 0)
    def _():
        vlf_ref[...] = partv[None]
        cnt_s[...] = pcbv

    @pl.when(p != 0)
    def _():
        vlf_ref[...] = vlf_ref[...] + partv[None]
        cnt_s[...] = cnt_s[...] + pcbv

    @pl.when(p == nblk - 1)
    def _():
        cnt = jnp.maximum(cnt_s[:, 0:1], 1.0)
        vlf_ref[...] = vlf_ref[...] / cnt[None]


def _tcb_call(fvi, fverts, fvt3d, uvrows, local_feature):
    b, pdim, d = local_feature.shape
    nw, _, pb = fvi.shape
    n = nw * pb
    nblk = pdim // pb
    assert b * nblk == nw and pb == _PB
    grid = (b, nblk)
    body = functools.partial(_tcb_body, nblk)
    return pl.pallas_call(
        body,
        grid=grid,
        in_specs=[
            pl.BlockSpec((1, 3, pb), lambda bi, pi: (bi * nblk + pi, 0, 0)),
            pl.BlockSpec((1, 9, 8, pb // 8),
                         lambda bi, pi: (bi * nblk + pi, 0, 0, 0)),
            pl.BlockSpec((1, 9, 8, pb // 8),
                         lambda bi, pi: (bi * nblk + pi, 0, 0, 0)),
            pl.BlockSpec((1, 2, 8, pb // 8),
                         lambda bi, pi: (bi * nblk + pi, 0, 0, 0)),
            pl.BlockSpec((1, pb, d), lambda bi, pi: (bi, pi, 0)),
        ],
        out_specs=[
            pl.BlockSpec((1, 3, 8, pb // 8),
                         lambda bi, pi: (bi * nblk + pi, 0, 0, 0)),
            pl.BlockSpec((1, _NUM_VERTS, d), lambda bi, pi: (bi, 0, 0)),
        ],
        out_shape=[
            jax.ShapeDtypeStruct((nw, 3, 8, pb // 8), jnp.float32),
            jax.ShapeDtypeStruct((b, _NUM_VERTS, d), jnp.float32),
        ],
        scratch_shapes=[pltpu.VMEM((_NUM_VERTS, 128), jnp.float32)],
    )(fvi, fverts, fvt3d, uvrows, local_feature)


def kernel(uv, local_feature, verts, uv_verts, faces, face_inds):
    n = uv.shape[0]
    uvrows, idx_fat, vt3d, faces_t, verts_t = _tca_call(
        uv, uv_verts, faces, verts)
    fvi, fverts, fvt3d, uv8 = _sc_gather_call(
        idx_fat, uvrows, face_inds.reshape(-1), faces_t, verts_t, vt3d, n)
    p3d4, vlf = _tcb_call(fvi, fverts, fvt3d, uv8, local_feature)
    p3d = jnp.transpose(p3d4, (0, 2, 3, 1)).reshape(n, 3)
    return p3d, vlf

# --- scband reference (transcript-rebuilt; emitter-appended) ---
"""Pipeline reference for scband-uvto3-d-74689481278081 (READ-ONLY COPY).

The authoritative reference and input builder live on the scoring server;
editing this copy changes nothing except your own understanding.
"""

import jax, jax.numpy as jnp
import numpy as np

NUM_VERTS = 642
NUM_FACES = 1280
UV_MAP = 1001
B = 8
P = 8192
D = 256


def _uv_to_3d(uv):
    # geom_utils.convert_uv_to_3d_coordinates (acsm/csm convention):
    # map uv in [0,1]^2 onto the unit sphere
    phi = 2.0 * jnp.pi * (uv[..., 0] - 0.5)
    theta = jnp.pi * (uv[..., 1] - 0.5)
    ct = jnp.cos(theta)
    return jnp.stack([ct * jnp.cos(phi), ct * jnp.sin(phi), jnp.sin(theta)], axis=-1)


def _barycentric(face_uv_verts, uv_points):
    verts3 = _uv_to_3d(face_uv_verts)      # [N, 3, 3]
    pts = _uv_to_3d(uv_points)             # [N, 3]
    vA = verts3[:, 0, :]
    vB = verts3[:, 1, :]
    vC = verts3[:, 2, :]
    AB = vB - vA
    AC = vC - vA
    BC = vC - vB
    AP = pts - vA
    BP = pts - vB
    areaBAC = jnp.linalg.norm(jnp.cross(AB, AC), axis=1)
    areaBAP = jnp.linalg.norm(jnp.cross(AB, AP), axis=1)
    areaCAP = jnp.linalg.norm(jnp.cross(AC, AP), axis=1)
    areaCBP = jnp.linalg.norm(jnp.cross(BC, BP), axis=1)
    w = areaBAP / areaBAC
    v = areaCAP / areaBAC
    u = areaCBP / areaBAC
    bc = jnp.stack([u, v, w], axis=1)
    # F.normalize(p=1): divide by max(sum(|x|), eps)
    bc = bc / jnp.maximum(jnp.sum(jnp.abs(bc), axis=1, keepdims=True), 1e-12)
    return bc


def setup_inputs(seed: int = 0) -> dict:
    key = jax.random.key(seed)
    k = jax.random.split(key, 6)
    uv = jax.random.uniform(k[0], (B * P, 2), dtype=jnp.float32)
    local_feature = jax.random.normal(k[1], (B, P, D), dtype=jnp.float32)
    # mean_shape components (learned/fixed template mesh)
    verts = jax.random.normal(k[2], (NUM_VERTS, 3), dtype=jnp.float32)
    uv_verts = jax.random.uniform(k[3], (NUM_VERTS, 2), dtype=jnp.float32)
    faces = jax.random.randint(k[4], (NUM_FACES, 3), 0, NUM_VERTS, dtype=jnp.int32)
    face_inds = jax.random.randint(k[5], (UV_MAP, UV_MAP), 0, NUM_FACES, dtype=jnp.int32)
    return {"uv": uv, "local_feature": local_feature, "verts": verts,
            "uv_verts": uv_verts, "faces": faces, "face_inds": face_inds}


def reference(uv, local_feature, verts, uv_verts, faces, face_inds):
    # uv_map_size = [W-1, H-1] = 1000 for a 1001x1001 uv map
    uv_inds = jnp.clip(jnp.round(uv * (UV_MAP - 1)).astype(jnp.int32), 0, UV_MAP - 1)
    fi = face_inds[uv_inds[:, 1], uv_inds[:, 0]]          # [N]
    face_vert_inds = faces[fi]                             # [N, 3]
    face_verts = verts[face_vert_inds]                     # [N, 3, 3]
    face_uv_verts = uv_verts[face_vert_inds]               # [N, 3, 2]
    bc = _barycentric(face_uv_verts, uv)                   # [N, 3]
    points3d = (face_verts * bc[:, :, None]).sum(axis=1)   # [N, 3]

    # group local features to vertices: index_add + count-normalize (mean)
    fvi_b = face_vert_inds.reshape(B, P, 3)
    idx = jnp.concatenate([fvi_b[:, :, 0], fvi_b[:, :, 1], fvi_b[:, :, 2]], axis=1)  # [B, 3P]
    feat = jnp.concatenate([local_feature, local_feature, local_feature], axis=1)    # [B, 3P, D]
    seg = (idx + jnp.arange(B, dtype=jnp.int32)[:, None] * NUM_VERTS).reshape(-1)
    sums = jax.ops.segment_sum(feat.reshape(B * 3 * P, D), seg, num_segments=B * NUM_VERTS)
    counts = jax.ops.segment_sum(jnp.ones((B * 3 * P,), jnp.float32), seg, num_segments=B * NUM_VERTS)
    verts_local_feature = sums / jnp.maximum(counts, 1.0)[:, None]
    verts_local_feature = verts_local_feature.reshape(B, NUM_VERTS, D)
    return (points3d, verts_local_feature)

if __name__ == "__main__":
    import jax
    _d = setup_inputs()
    print(jax.jit(kernel)(*tuple(_d.values())))

</pallas_src>

<mosaic_0001>
#map = affine_map<(d0, d1) -> (0, 0)>
#map1 = affine_map<(d0, d1) -> (0, 0, 0)>
#map2 = affine_map<(d0, d1) -> (0)>
#map3 = affine_map<(d0, d1) -> (0, 0, 0, 0)>
module attributes {stable_mosaic.version = 14 : i64} {
  func.func @sc_kernel(%arg0: i32, %arg1: i32, %arg2: memref<512x128xi32, #tpu.memory_space<hbm>>, %arg3: memref<32x2x2048xf32, #tpu.memory_space<hbm>>, %arg4: memref<1002001xi32, #tpu.memory_space<hbm>>, %arg5: memref<3x1280xi32, #tpu.memory_space<hbm>>, %arg6: memref<3x648xf32, #tpu.memory_space<hbm>>, %arg7: memref<3x648xf32, #tpu.memory_space<hbm>>, %arg8: memref<32x3x2048xi32, #tpu.memory_space<hbm>>, %arg9: memref<32x9x8x256xf32, #tpu.memory_space<hbm>>, %arg10: memref<32x9x8x256xf32, #tpu.memory_space<hbm>>, %arg11: memref<32x2x8x256xf32, #tpu.memory_space<hbm>>, %arg12: memref<16x128xi32, #tpu.memory_space<vmem>>, %arg13: memref<2x2048xf32, #tpu.memory_space<vmem>>, %arg14: memref<2048xi32, #tpu.memory_space<vmem>>, %arg15: memref<3x1280xi32, #tpu.memory_space<vmem>>, %arg16: memref<3x648xf32, #tpu.memory_space<vmem>>, %arg17: memref<3x648xf32, #tpu.memory_space<vmem>>, %arg18: memref<3x2048xi32, #tpu.memory_space<vmem>>, %arg19: memref<9x8x256xf32, #tpu.memory_space<vmem>>, %arg20: memref<9x8x256xf32, #tpu.memory_space<vmem>>, %arg21: memref<2x8x256xf32, #tpu.memory_space<vmem>>, %arg22: memref<!tpu.dma_semaphore, #tpu.memory_space<semaphore_mem>>) attributes {dimension_semantics = [#tpu.dimension_semantics<core_parallel>, #tpu.dimension_semantics<subcore_parallel>], iteration_bounds = array<i64: 2, 16>, scalar_prefetch = 0 : i64, scratch_operands = 11 : i64, tpu.core_type = #tpu.core_type<sc_vector_subcore>, window_params = [{transform_indices = #map}, {transform_indices = #map1}, {transform_indices = #map2}, {transform_indices = #map}, {transform_indices = #map}, {transform_indices = #map}, {transform_indices = #map1}, {transform_indices = #map3}, {transform_indices = #map3}, {transform_indices = #map3}]} {
    %mul3A = arith.constant 2 : i32
    %mul3A_0 = arith.muli %arg1, %mul3A : i32
    %add3A = arith.addi %mul3A_0, %arg0 : i32
    %mul3A_1 = arith.constant 16 : i32
    %mul3A_2 = arith.muli %add3A, %mul3A_1 : i32
    "tpu.region"() ({
      %run_scoped3A = tpu.sem_alloc : memref<!tpu.dma_semaphore, #tpu.memory_space<semaphore_mem>>
      %dma_start3A_267 = arith.constant 0 : i32
      %dma_start3A_268 = tpu.memref_slice %arg2[%mul3A_2, %dma_start3A_267] : memref<512x128xi32, #tpu.memory_space<hbm>> -> memref<16x128xi32, #tpu.memory_space<hbm>>
      %dma_start3A_269 = arith.constant 0 : i32
      %dma_start3A_270 = tpu.memref_slice %arg2[%mul3A_2, %dma_start3A_269] : memref<512x128xi32, #tpu.memory_space<hbm>> -> memref<16x128xi32, #tpu.memory_space<hbm>>
      tpu.enqueue_dma source(%dma_start3A_270 : memref<16x128xi32, #tpu.memory_space<hbm>>) target(%arg12 : memref<16x128xi32, #tpu.memory_space<vmem>>) target_semaphore(%run_scoped3A : memref<!tpu.dma_semaphore, #tpu.memory_space<semaphore_mem>>)
      %dma_wait3A_271 = arith.constant 0 : i32
      %dma_wait3A_272 = tpu.memref_slice %arg2[%mul3A_2, %dma_wait3A_271] : memref<512x128xi32, #tpu.memory_space<hbm>> -> memref<16x128xi32, #tpu.memory_space<hbm>>
      %dma_wait3A_273 = arith.constant 0 : i32
      %dma_wait3A_274 = tpu.memref_slice %arg2[%mul3A_2, %dma_wait3A_273] : memref<512x128xi32, #tpu.memory_space<hbm>> -> memref<16x128xi32, #tpu.memory_space<hbm>>
      tpu.wait_dma2 semaphore(%run_scoped3A : memref<!tpu.dma_semaphore, #tpu.memory_space<semaphore_mem>>) src(%dma_wait3A_274 : memref<16x128xi32, #tpu.memory_space<hbm>>) dst(%arg12 : memref<16x128xi32, #tpu.memory_space<vmem>>)
      tpu.yield
    }) : () -> ()
    "tpu.region"() ({
      %run_scoped3A = tpu.sem_alloc : memref<!tpu.dma_semaphore, #tpu.memory_space<semaphore_mem>>
      %dma_start3A_267 = arith.constant 0 : i32
      %dma_start3A_268 = arith.constant 0 : i32
      %dma_start3A_269 = tpu.memref_slice %arg3[%add3A, %dma_start3A_267, %dma_start3A_268] : memref<32x2x2048xf32, #tpu.memory_space<hbm>> -> memref<1x2x2048xf32, #tpu.memory_space<hbm>>
      %dma_start3A_270 = tpu.memref_squeeze %dma_start3A_269 : memref<1x2x2048xf32, #tpu.memory_space<hbm>> -> memref<2x2048xf32, #tpu.memory_space<hbm>>
      %dma_start3A_271 = arith.constant 0 : i32
      %dma_start3A_272 = arith.constant 0 : i32
      %dma_start3A_273 = tpu.memref_slice %arg3[%add3A, %dma_start3A_271, %dma_start3A_272] : memref<32x2x2048xf32, #tpu.memory_space<hbm>> -> memref<1x2x2048xf32, #tpu.memory_space<hbm>>
      %dma_start3A_274 = tpu.memref_squeeze %dma_start3A_273 : memref<1x2x2048xf32, #tpu.memory_space<hbm>> -> memref<2x2048xf32, #tpu.memory_space<hbm>>
      tpu.enqueue_dma source(%dma_start3A_274 : memref<2x2048xf32, #tpu.memory_space<hbm>>) target(%arg13 : memref<2x2048xf32, #tpu.memory_space<vmem>>) target_semaphore(%run_scoped3A : memref<!tpu.dma_semaphore, #tpu.memory_space<semaphore_mem>>)
      %dma_wait3A_275 = arith.constant 0 : i32
      %dma_wait3A_276 = arith.constant 0 : i32
      %dma_wait3A_277 = tpu.memref_slice %arg3[%add3A, %dma_wait3A_275, %dma_wait3A_276] : memref<32x2x2048xf32, #tpu.memory_space<hbm>> -> memref<1x2x2048xf32, #tpu.memory_space<hbm>>
      %dma_wait3A_278 = tpu.memref_squeeze %dma_wait3A_277 : memref<1x2x2048xf32, #tpu.memory_space<hbm>> -> memref<2x2048xf32, #tpu.memory_space<hbm>>
      %dma_wait3A_279 = arith.constant 0 : i32
      %dma_wait3A_280 = arith.constant 0 : i32
      %dma_wait3A_281 = tpu.memref_slice %arg3[%add3A, %dma_wait3A_279, %dma_wait3A_280] : memref<32x2x2048xf32, #tpu.memory_space<hbm>> -> memref<1x2x2048xf32, #tpu.memory_space<hbm>>
      %dma_wait3A_282 = tpu.memref_squeeze %dma_wait3A_281 : memref<1x2x2048xf32, #tpu.memory_space<hbm>> -> memref<2x2048xf32, #tpu.memory_space<hbm>>
      tpu.wait_dma2 semaphore(%run_scoped3A : memref<!tpu.dma_semaphore, #tpu.memory_space<semaphore_mem>>) src(%dma_wait3A_282 : memref<2x2048xf32, #tpu.memory_space<hbm>>) dst(%arg13 : memref<2x2048xf32, #tpu.memory_space<vmem>>)
      tpu.yield
    }) : () -> ()
    "tpu.region"() ({
      %run_scoped3A = tpu.sem_alloc : memref<!tpu.dma_semaphore, #tpu.memory_space<semaphore_mem>>
      tpu.enqueue_dma source(%arg5 : memref<3x1280xi32, #tpu.memory_space<hbm>>) target(%arg15 : memref<3x1280xi32, #tpu.memory_space<vmem>>) target_semaphore(%run_scoped3A : memref<!tpu.dma_semaphore, #tpu.memory_space<semaphore_mem>>)
      tpu.wait_dma2 semaphore(%run_scoped3A : memref<!tpu.dma_semaphore, #tpu.memory_space<semaphore_mem>>) src(%arg5 : memref<3x1280xi32, #tpu.memory_space<hbm>>) dst(%arg15 : memref<3x1280xi32, #tpu.memory_space<vmem>>)
      tpu.yield
    }) : () -> ()
    "tpu.region"() ({
      %run_scoped3A = tpu.sem_alloc : memref<!tpu.dma_semaphore, #tpu.memory_space<semaphore_mem>>
      tpu.enqueue_dma source(%arg6 : memref<3x648xf32, #tpu.memory_space<hbm>>) target(%arg16 : memref<3x648xf32, #tpu.memory_space<vmem>>) target_semaphore(%run_scoped3A : memref<!tpu.dma_semaphore, #tpu.memory_space<semaphore_mem>>)
      tpu.wait_dma2 semaphore(%run_scoped3A : memref<!tpu.dma_semaphore, #tpu.memory_space<semaphore_mem>>) src(%arg6 : memref<3x648xf32, #tpu.memory_space<hbm>>) dst(%arg16 : memref<3x648xf32, #tpu.memory_space<vmem>>)
      tpu.yield
    }) : () -> ()
    "tpu.region"() ({
      %run_scoped3A = tpu.sem_alloc : memref<!tpu.dma_semaphore, #tpu.memory_space<semaphore_mem>>
      tpu.enqueue_dma source(%arg7 : memref<3x648xf32, #tpu.memory_space<hbm>>) target(%arg17 : memref<3x648xf32, #tpu.memory_space<vmem>>) target_semaphore(%run_scoped3A : memref<!tpu.dma_semaphore, #tpu.memory_space<semaphore_mem>>)
      tpu.wait_dma2 semaphore(%run_scoped3A : memref<!tpu.dma_semaphore, #tpu.memory_space<semaphore_mem>>) src(%arg7 : memref<3x648xf32, #tpu.memory_space<hbm>>) dst(%arg17 : memref<3x648xf32, #tpu.memory_space<vmem>>)
      tpu.yield
    }) : () -> ()
    %dma_start3A = arith.constant 0 : i32
    %dma_start3A_3 = arith.constant 0 : i32
    %dma_start3A_4 = tpu.memref_slice %arg14[%dma_start3A_3] : memref<2048xi32, #tpu.memory_space<vmem>> -> memref<128xi32, #tpu.memory_space<vmem>>
    %dma_start3A_5 = arith.constant 0 : i32
    %dma_start3A_6 = tpu.memref_slice %arg12[%dma_start3A, %dma_start3A_5] : memref<16x128xi32, #tpu.memory_space<vmem>> -> memref<1x128xi32, #tpu.memory_space<vmem>>
    %dma_start3A_7 = tpu.memref_squeeze %dma_start3A_6 : memref<1x128xi32, #tpu.memory_space<vmem>> -> memref<128xi32, #tpu.memory_space<vmem>>
    %dma_start3A_8 = arith.constant 0 : i32
    %dma_start3A_9 = tpu.memref_slice %arg4[%dma_start3A_8] : memref<1002001xi32, #tpu.memory_space<hbm>> -> memref<1002001xi32, #tpu.memory_space<hbm>>
    tpu.enqueue_indirect_dma source(%dma_start3A_9 : memref<1002001xi32, #tpu.memory_space<hbm>>) target(%dma_start3A_4 : memref<128xi32, #tpu.memory_space<vmem>>) offsets(%dma_start3A_7 : memref<128xi32, #tpu.memory_space<vmem>>) semaphore(%arg22 : memref<!tpu.dma_semaphore, #tpu.memory_space<semaphore_mem>>)
    %dma_start3A_10 = arith.constant 1 : i32
    %dma_start3A_11 = arith.constant 128 : i32
    %dma_start3A_12 = tpu.memref_slice %arg14[%dma_start3A_11] : memref<2048xi32, #tpu.memory_space<vmem>> -> memref<128xi32, #tpu.memory_space<vmem>>
    %dma_start3A_13 = arith.constant 0 : i32
    %dma_start3A_14 = tpu.memref_slice %arg12[%dma_start3A_10, %dma_start3A_13] : memref<16x128xi32, #tpu.memory_space<vmem>> -> memref<1x128xi32, #tpu.memory_space<vmem>>
    %dma_start3A_15 = tpu.memref_squeeze %dma_start3A_14 : memref<1x128xi32, #tpu.memory_space<vmem>> -> memref<128xi32, #tpu.memory_space<vmem>>
    %dma_start3A_16 = arith.constant 0 : i32
    %dma_start3A_17 = tpu.memref_slice %arg4[%dma_start3A_16] : memref<1002001xi32, #tpu.memory_space<hbm>> -> memref<1002001xi32, #tpu.memory_space<hbm>>
    tpu.enqueue_indirect_dma source(%dma_start3A_17 : memref<1002001xi32, #tpu.memory_space<hbm>>) target(%dma_start3A_12 : memref<128xi32, #tpu.memory_space<vmem>>) offsets(%dma_start3A_15 : memref<128xi32, #tpu.memory_space<vmem>>) semaphore(%arg22 : memref<!tpu.dma_semaphore, #tpu.memory_space<semaphore_mem>>)
    %dma_start3A_18 = arith.constant 2 : i32
    %dma_start3A_19 = arith.constant 256 : i32
    %dma_start3A_20 = tpu.memref_slice %arg14[%dma_start3A_19] : memref<2048xi32, #tpu.memory_space<vmem>> -> memref<128xi32, #tpu.memory_space<vmem>>
    %dma_start3A_21 = arith.constant 0 : i32
    %dma_start3A_22 = tpu.memref_slice %arg12[%dma_start3A_18, %dma_start3A_21] : memref<16x128xi32, #tpu.memory_space<vmem>> -> memref<1x128xi32, #tpu.memory_space<vmem>>
    %dma_start3A_23 = tpu.memref_squeeze %dma_start3A_22 : memref<1x128xi32, #tpu.memory_space<vmem>> -> memref<128xi32, #tpu.memory_space<vmem>>
    %dma_start3A_24 = arith.constant 0 : i32
    %dma_start3A_25 = tpu.memref_slice %arg4[%dma_start3A_24] : memref<1002001xi32, #tpu.memory_space<hbm>> -> memref<1002001xi32, #tpu.memory_space<hbm>>
    tpu.enqueue_indirect_dma source(%dma_start3A_25 : memref<1002001xi32, #tpu.memory_space<hbm>>) target(%dma_start3A_20 : memref<128xi32, #tpu.memory_space<vmem>>) offsets(%dma_start3A_23 : memref<128xi32, #tpu.memory_space<vmem>>) semaphore(%arg22 : memref<!tpu.dma_semaphore, #tpu.memory_space<semaphore_mem>>)
    %dma_start3A_26 = arith.constant 3 : i32
    %dma_start3A_27 = arith.constant 384 : i32
    %dma_start3A_28 = tpu.memref_slice %arg14[%dma_start3A_27] : memref<2048xi32, #tpu.memory_space<vmem>> -> memref<128xi32, #tpu.memory_space<vmem>>
    %dma_start3A_29 = arith.constant 0 : i32
    %dma_start3A_30 = tpu.memref_slice %arg12[%dma_start3A_26, %dma_start3A_29] : memref<16x128xi32, #tpu.memory_space<vmem>> -> memref<1x128xi32, #tpu.memory_space<vmem>>
    %dma_start3A_31 = tpu.memref_squeeze %dma_start3A_30 : memref<1x128xi32, #tpu.memory_space<vmem>> -> memref<128xi32, #tpu.memory_space<vmem>>
    %dma_start3A_32 = arith.constant 0 : i32
    %dma_start3A_33 = tpu.memref_slice %arg4[%dma_start3A_32] : memref<1002001xi32, #tpu.memory_space<hbm>> -> memref<1002001xi32, #tpu.memory_space<hbm>>
    tpu.enqueue_indirect_dma source(%dma_start3A_33 : memref<1002001xi32, #tpu.memory_space<hbm>>) target(%dma_start3A_28 : memref<128xi32, #tpu.memory_space<vmem>>) offsets(%dma_start3A_31 : memref<128xi32, #tpu.memory_space<vmem>>) semaphore(%arg22 : memref<!tpu.dma_semaphore, #tpu.memory_space<semaphore_mem>>)
    %dma_start3A_34 = arith.constant 4 : i32
    %dma_start3A_35 = arith.constant 512 : i32
    %dma_start3A_36 = tpu.memref_slice %arg14[%dma_start3A_35] : memref<2048xi32, #tpu.memory_space<vmem>> -> memref<128xi32, #tpu.memory_space<vmem>>
    %dma_start3A_37 = arith.constant 0 : i32
    %dma_start3A_38 = tpu.memref_slice %arg12[%dma_start3A_34, %dma_start3A_37] : memref<16x128xi32, #tpu.memory_space<vmem>> -> memref<1x128xi32, #tpu.memory_space<vmem>>
    %dma_start3A_39 = tpu.memref_squeeze %dma_start3A_38 : memref<1x128xi32, #tpu.memory_space<vmem>> -> memref<128xi32, #tpu.memory_space<vmem>>
    %dma_start3A_40 = arith.constant 0 : i32
    %dma_start3A_41 = tpu.memref_slice %arg4[%dma_start3A_40] : memref<1002001xi32, #tpu.memory_space<hbm>> -> memref<1002001xi32, #tpu.memory_space<hbm>>
    tpu.enqueue_indirect_dma source(%dma_start3A_41 : memref<1002001xi32, #tpu.memory_space<hbm>>) target(%dma_start3A_36 : memref<128xi32, #tpu.memory_space<vmem>>) offsets(%dma_start3A_39 : memref<128xi32, #tpu.memory_space<vmem>>) semaphore(%arg22 : memref<!tpu.dma_semaphore, #tpu.memory_space<semaphore_mem>>)
    %dma_start3A_42 = arith.constant 5 : i32
    %dma_start3A_43 = arith.constant 640 : i32
    %dma_start3A_44 = tpu.memref_slice %arg14[%dma_start3A_43] : memref<2048xi32, #tpu.memory_space<vmem>> -> memref<128xi32, #tpu.memory_space<vmem>>
    %dma_start3A_45 = arith.constant 0 : i32
    %dma_start3A_46 = tpu.memref_slice %arg12[%dma_start3A_42, %dma_start3A_45] : memref<16x128xi32, #tpu.memory_space<vmem>> -> memref<1x128xi32, #tpu.memory_space<vmem>>
    %dma_start3A_47 = tpu.memref_squeeze %dma_start3A_46 : memref<1x128xi32, #tpu.memory_space<vmem>> -> memref<128xi32, #tpu.memory_space<vmem>>
    %dma_start3A_48 = arith.constant 0 : i32
    %dma_start3A_49 = tpu.memref_slice %arg4[%dma_start3A_48] : memref<1002001xi32, #tpu.memory_space<hbm>> -> memref<1002001xi32, #tpu.memory_space<hbm>>
    tpu.enqueue_indirect_dma source(%dma_start3A_49 : memref<1002001xi32, #tpu.memory_space<hbm>>) target(%dma_start3A_44 : memref<128xi32, #tpu.memory_space<vmem>>) offsets(%dma_start3A_47 : memref<128xi32, #tpu.memory_space<vmem>>) semaphore(%arg22 : memref<!tpu.dma_semaphore, #tpu.memory_space<semaphore_mem>>)
    %dma_start3A_50 = arith.constant 6 : i32
    %dma_start3A_51 = arith.constant 768 : i32
    %dma_start3A_52 = tpu.memref_slice %arg14[%dma_start3A_51] : memref<2048xi32, #tpu.memory_space<vmem>> -> memref<128xi32, #tpu.memory_space<vmem>>
    %dma_start3A_53 = arith.constant 0 : i32
    %dma_start3A_54 = tpu.memref_slice %arg12[%dma_start3A_50, %dma_start3A_53] : memref<16x128xi32, #tpu.memory_space<vmem>> -> memref<1x128xi32, #tpu.memory_space<vmem>>
    %dma_start3A_55 = tpu.memref_squeeze %dma_start3A_54 : memref<1x128xi32, #tpu.memory_space<vmem>> -> memref<128xi32, #tpu.memory_space<vmem>>
    %dma_start3A_56 = arith.constant 0 : i32
    %dma_start3A_57 = tpu.memref_slice %arg4[%dma_start3A_56] : memref<1002001xi32, #tpu.memory_space<hbm>> -> memref<1002001xi32, #tpu.memory_space<hbm>>
    tpu.enqueue_indirect_dma source(%dma_start3A_57 : memref<1002001xi32, #tpu.memory_space<hbm>>) target(%dma_start3A_52 : memref<128xi32, #tpu.memory_space<vmem>>) offsets(%dma_start3A_55 : memref<128xi32, #tpu.memory_space<vmem>>) semaphore(%arg22 : memref<!tpu.dma_semaphore, #tpu.memory_space<semaphore_mem>>)
    %dma_start3A_58 = arith.constant 7 : i32
    %dma_start3A_59 = arith.constant 896 : i32
    %dma_start3A_60 = tpu.memref_slice %arg14[%dma_start3A_59] : memref<2048xi32, #tpu.memory_space<vmem>> -> memref<128xi32, #tpu.memory_space<vmem>>
    %dma_start3A_61 = arith.constant 0 : i32
    %dma_start3A_62 = tpu.memref_slice %arg12[%dma_start3A_58, %dma_start3A_61] : memref<16x128xi32, #tpu.memory_space<vmem>> -> memref<1x128xi32, #tpu.memory_space<vmem>>
    %dma_start3A_63 = tpu.memref_squeeze %dma_start3A_62 : memref<1x128xi32, #tpu.memory_space<vmem>> -> memref<128xi32, #tpu.memory_space<vmem>>
    %dma_start3A_64 = arith.constant 0 : i32
    %dma_start3A_65 = tpu.memref_slice %arg4[%dma_start3A_64] : memref<1002001xi32, #tpu.memory_space<hbm>> -> memref<1002001xi32, #tpu.memory_space<hbm>>
    tpu.enqueue_indirect_dma source(%dma_start3A_65 : memref<1002001xi32, #tpu.memory_space<hbm>>) target(%dma_start3A_60 : memref<128xi32, #tpu.memory_space<vmem>>) offsets(%dma_start3A_63 : memref<128xi32, #tpu.memory_space<vmem>>) semaphore(%arg22 : memref<!tpu.dma_semaphore, #tpu.memory_space<semaphore_mem>>)
    %dma_start3A_66 = arith.constant 8 : i32
    %dma_start3A_67 = arith.constant 1024 : i32
    %dma_start3A_68 = tpu.memref_slice %arg14[%dma_start3A_67] : memref<2048xi32, #tpu.memory_space<vmem>> -> memref<128xi32, #tpu.memory_space<vmem>>
    %dma_start3A_69 = arith.constant 0 : i32
    %dma_start3A_70 = tpu.memref_slice %arg12[%dma_start3A_66, %dma_start3A_69] : memref<16x128xi32, #tpu.memory_space<vmem>> -> memref<1x128xi32, #tpu.memory_space<vmem>>
    %dma_start3A_71 = tpu.memref_squeeze %dma_start3A_70 : memref<1x128xi32, #tpu.memory_space<vmem>> -> memref<128xi32, #tpu.memory_space<vmem>>
    %dma_start3A_72 = arith.constant 0 : i32
    %dma_start3A_73 = tpu.memref_slice %arg4[%dma_start3A_72] : memref<1002001xi32, #tpu.memory_space<hbm>> -> memref<1002001xi32, #tpu.memory_space<hbm>>
    tpu.enqueue_indirect_dma source(%dma_start3A_73 : memref<1002001xi32, #tpu.memory_space<hbm>>) target(%dma_start3A_68 : memref<128xi32, #tpu.memory_space<vmem>>) offsets(%dma_start3A_71 : memref<128xi32, #tpu.memory_space<vmem>>) semaphore(%arg22 : memref<!tpu.dma_semaphore, #tpu.memory_space<semaphore_mem>>)
    %dma_start3A_74 = arith.constant 9 : i32
    %dma_start3A_75 = arith.constant 1152 : i32
    %dma_start3A_76 = tpu.memref_slice %arg14[%dma_start3A_75] : memref<2048xi32, #tpu.memory_space<vmem>> -> memref<128xi32, #tpu.memory_space<vmem>>
    %dma_start3A_77 = arith.constant 0 : i32
    %dma_start3A_78 = tpu.memref_slice %arg12[%dma_start3A_74, %dma_start3A_77] : memref<16x128xi32, #tpu.memory_space<vmem>> -> memref<1x128xi32, #tpu.memory_space<vmem>>
    %dma_start3A_79 = tpu.memref_squeeze %dma_start3A_78 : memref<1x128xi32, #tpu.memory_space<vmem>> -> memref<128xi32, #tpu.memory_space<vmem>>
    %dma_start3A_80 = arith.constant 0 : i32
    %dma_start3A_81 = tpu.memref_slice %arg4[%dma_start3A_80] : memref<1002001xi32, #tpu.memory_space<hbm>> -> memref<1002001xi32, #tpu.memory_space<hbm>>
    tpu.enqueue_indirect_dma source(%dma_start3A_81 : memref<1002001xi32, #tpu.memory_space<hbm>>) target(%dma_start3A_76 : memref<128xi32, #tpu.memory_space<vmem>>) offsets(%dma_start3A_79 : memref<128xi32, #tpu.memory_space<vmem>>) semaphore(%arg22 : memref<!tpu.dma_semaphore, #tpu.memory_space<semaphore_mem>>)
    %dma_start3A_82 = arith.constant 10 : i32
    %dma_start3A_83 = arith.constant 1280 : i32
    %dma_start3A_84 = tpu.memref_slice %arg14[%dma_start3A_83] : memref<2048xi32, #tpu.memory_space<vmem>> -> memref<128xi32, #tpu.memory_space<vmem>>
    %dma_start3A_85 = arith.constant 0 : i32
    %dma_start3A_86 = tpu.memref_slice %arg12[%dma_start3A_82, %dma_start3A_85] : memref<16x128xi32, #tpu.memory_space<vmem>> -> memref<1x128xi32, #tpu.memory_space<vmem>>
    %dma_start3A_87 = tpu.memref_squeeze %dma_start3A_86 : memref<1x128xi32, #tpu.memory_space<vmem>> -> memref<128xi32, #tpu.memory_space<vmem>>
    %dma_start3A_88 = arith.constant 0 : i32
    %dma_start3A_89 = tpu.memref_slice %arg4[%dma_start3A_88] : memref<1002001xi32, #tpu.memory_space<hbm>> -> memref<1002001xi32, #tpu.memory_space<hbm>>
    tpu.enqueue_indirect_dma source(%dma_start3A_89 : memref<1002001xi32, #tpu.memory_space<hbm>>) target(%dma_start3A_84 : memref<128xi32, #tpu.memory_space<vmem>>) offsets(%dma_start3A_87 : memref<128xi32, #tpu.memory_space<vmem>>) semaphore(%arg22 : memref<!tpu.dma_semaphore, #tpu.memory_space<semaphore_mem>>)
    %dma_start3A_90 = arith.constant 11 : i32
    %dma_start3A_91 = arith.constant 1408 : i32
    %dma_start3A_92 = tpu.memref_slice %arg14[%dma_start3A_91] : memref<2048xi32, #tpu.memory_space<vmem>> -> memref<128xi32, #tpu.memory_space<vmem>>
    %dma_start3A_93 = arith.constant 0 : i32
    %dma_start3A_94 = tpu.memref_slice %arg12[%dma_start3A_90, %dma_start3A_93] : memref<16x128xi32, #tpu.memory_space<vmem>> -> memref<1x128xi32, #tpu.memory_space<vmem>>
    %dma_start3A_95 = tpu.memref_squeeze %dma_start3A_94 : memref<1x128xi32, #tpu.memory_space<vmem>> -> memref<128xi32, #tpu.memory_space<vmem>>
    %dma_start3A_96 = arith.constant 0 : i32
    %dma_start3A_97 = tpu.memref_slice %arg4[%dma_start3A_96] : memref<1002001xi32, #tpu.memory_space<hbm>> -> memref<1002001xi32, #tpu.memory_space<hbm>>
    tpu.enqueue_indirect_dma source(%dma_start3A_97 : memref<1002001xi32, #tpu.memory_space<hbm>>) target(%dma_start3A_92 : memref<128xi32, #tpu.memory_space<vmem>>) offsets(%dma_start3A_95 : memref<128xi32, #tpu.memory_space<vmem>>) semaphore(%arg22 : memref<!tpu.dma_semaphore, #tpu.memory_space<semaphore_mem>>)
    %dma_start3A_98 = arith.constant 12 : i32
    %dma_start3A_99 = arith.constant 1536 : i32
    %dma_start3A_100 = tpu.memref_slice %arg14[%dma_start3A_99] : memref<2048xi32, #tpu.memory_space<vmem>> -> memref<128xi32, #tpu.memory_space<vmem>>
    %dma_start3A_101 = arith.constant 0 : i32
    %dma_start3A_102 = tpu.memref_slice %arg12[%dma_start3A_98, %dma_start3A_101] : memref<16x128xi32, #tpu.memory_space<vmem>> -> memref<1x128xi32, #tpu.memory_space<vmem>>
    %dma_start3A_103 = tpu.memref_squeeze %dma_start3A_102 : memref<1x128xi32, #tpu.memory_space<vmem>> -> memref<128xi32, #tpu.memory_space<vmem>>
    %dma_start3A_104 = arith.constant 0 : i32
    %dma_start3A_105 = tpu.memref_slice %arg4[%dma_start3A_104] : memref<1002001xi32, #tpu.memory_space<hbm>> -> memref<1002001xi32, #tpu.memory_space<hbm>>
    tpu.enqueue_indirect_dma source(%dma_start3A_105 : memref<1002001xi32, #tpu.memory_space<hbm>>) target(%dma_start3A_100 : memref<128xi32, #tpu.memory_space<vmem>>) offsets(%dma_start3A_103 : memref<128xi32, #tpu.memory_space<vmem>>) semaphore(%arg22 : memref<!tpu.dma_semaphore, #tpu.memory_space<semaphore_mem>>)
    %dma_start3A_106 = arith.constant 13 : i32
    %dma_start3A_107 = arith.constant 1664 : i32
    %dma_start3A_108 = tpu.memref_slice %arg14[%dma_start3A_107] : memref<2048xi32, #tpu.memory_space<vmem>> -> memref<128xi32, #tpu.memory_space<vmem>>
    %dma_start3A_109 = arith.constant 0 : i32
    %dma_start3A_110 = tpu.memref_slice %arg12[%dma_start3A_106, %dma_start3A_109] : memref<16x128xi32, #tpu.memory_space<vmem>> -> memref<1x128xi32, #tpu.memory_space<vmem>>
    %dma_start3A_111 = tpu.memref_squeeze %dma_start3A_110 : memref<1x128xi32, #tpu.memory_space<vmem>> -> memref<128xi32, #tpu.memory_space<vmem>>
    %dma_start3A_112 = arith.constant 0 : i32
    %dma_start3A_113 = tpu.memref_slice %arg4[%dma_start3A_112] : memref<1002001xi32, #tpu.memory_space<hbm>> -> memref<1002001xi32, #tpu.memory_space<hbm>>
    tpu.enqueue_indirect_dma source(%dma_start3A_113 : memref<1002001xi32, #tpu.memory_space<hbm>>) target(%dma_start3A_108 : memref<128xi32, #tpu.memory_space<vmem>>) offsets(%dma_start3A_111 : memref<128xi32, #tpu.memory_space<vmem>>) semaphore(%arg22 : memref<!tpu.dma_semaphore, #tpu.memory_space<semaphore_mem>>)
    %dma_start3A_114 = arith.constant 14 : i32
    %dma_start3A_115 = arith.constant 1792 : i32
    %dma_start3A_116 = tpu.memref_slice %arg14[%dma_start3A_115] : memref<2048xi32, #tpu.memory_space<vmem>> -> memref<128xi32, #tpu.memory_space<vmem>>
    %dma_start3A_117 = arith.constant 0 : i32
    %dma_start3A_118 = tpu.memref_slice %arg12[%dma_start3A_114, %dma_start3A_117] : memref<16x128xi32, #tpu.memory_space<vmem>> -> memref<1x128xi32, #tpu.memory_space<vmem>>
    %dma_start3A_119 = tpu.memref_squeeze %dma_start3A_118 : memref<1x128xi32, #tpu.memory_space<vmem>> -> memref<128xi32, #tpu.memory_space<vmem>>
    %dma_start3A_120 = arith.constant 0 : i32
    %dma_start3A_121 = tpu.memref_slice %arg4[%dma_start3A_120] : memref<1002001xi32, #tpu.memory_space<hbm>> -> memref<1002001xi32, #tpu.memory_space<hbm>>
    tpu.enqueue_indirect_dma source(%dma_start3A_121 : memref<1002001xi32, #tpu.memory_space<hbm>>) target(%dma_start3A_116 : memref<128xi32, #tpu.memory_space<vmem>>) offsets(%dma_start3A_119 : memref<128xi32, #tpu.memory_space<vmem>>) semaphore(%arg22 : memref<!tpu.dma_semaphore, #tpu.memory_space<semaphore_mem>>)
    %dma_start3A_122 = arith.constant 15 : i32
    %dma_start3A_123 = arith.constant 1920 : i32
    %dma_start3A_124 = tpu.memref_slice %arg14[%dma_start3A_123] : memref<2048xi32, #tpu.memory_space<vmem>> -> memref<128xi32, #tpu.memory_space<vmem>>
    %dma_start3A_125 = arith.constant 0 : i32
    %dma_start3A_126 = tpu.memref_slice %arg12[%dma_start3A_122, %dma_start3A_125] : memref<16x128xi32, #tpu.memory_space<vmem>> -> memref<1x128xi32, #tpu.memory_space<vmem>>
    %dma_start3A_127 = tpu.memref_squeeze %dma_start3A_126 : memref<1x128xi32, #tpu.memory_space<vmem>> -> memref<128xi32, #tpu.memory_space<vmem>>
    %dma_start3A_128 = arith.constant 0 : i32
    %dma_start3A_129 = tpu.memref_slice %arg4[%dma_start3A_128] : memref<1002001xi32, #tpu.memory_space<hbm>> -> memref<1002001xi32, #tpu.memory_space<hbm>>
    tpu.enqueue_indirect_dma source(%dma_start3A_129 : memref<1002001xi32, #tpu.memory_space<hbm>>) target(%dma_start3A_124 : memref<128xi32, #tpu.memory_space<vmem>>) offsets(%dma_start3A_127 : memref<128xi32, #tpu.memory_space<vmem>>) semaphore(%arg22 : memref<!tpu.dma_semaphore, #tpu.memory_space<semaphore_mem>>)
    %dma_wait3A = arith.constant 0 : i32
    %dma_wait3A_130 = arith.constant 0 : i32
    %dma_wait3A_131 = tpu.memref_slice %arg14[%dma_wait3A_130] : memref<2048xi32, #tpu.memory_space<vmem>> -> memref<128xi32, #tpu.memory_space<vmem>>
    %dma_wait3A_132 = arith.constant 0 : i32
    %dma_wait3A_133 = tpu.memref_slice %arg12[%dma_wait3A, %dma_wait3A_132] : memref<16x128xi32, #tpu.memory_space<vmem>> -> memref<1x128xi32, #tpu.memory_space<vmem>>
    %dma_wait3A_134 = tpu.memref_squeeze %dma_wait3A_133 : memref<1x128xi32, #tpu.memory_space<vmem>> -> memref<128xi32, #tpu.memory_space<vmem>>
    %dma_wait3A_135 = arith.constant 0 : i32
    %dma_wait3A_136 = tpu.memref_slice %arg4[%dma_wait3A_135] : memref<1002001xi32, #tpu.memory_space<hbm>> -> memref<1002001xi32, #tpu.memory_space<hbm>>
    tpu.wait_indirect_dma semaphore(%arg22 : memref<!tpu.dma_semaphore, #tpu.memory_space<semaphore_mem>>) src(%dma_wait3A_136 : memref<1002001xi32, #tpu.memory_space<hbm>>) dst(%dma_wait3A_131 : memref<128xi32, #tpu.memory_space<vmem>>)
    %dma_wait3A_137 = arith.constant 1 : i32
    %dma_wait3A_138 = arith.constant 128 : i32
    %dma_wait3A_139 = tpu.memref_slice %arg14[%dma_wait3A_138] : memref<2048xi32, #tpu.memory_space<vmem>> -> memref<128xi32, #tpu.memory_space<vmem>>
    %dma_wait3A_140 = arith.constant 0 : i32
    %dma_wait3A_141 = tpu.memref_slice %arg12[%dma_wait3A_137, %dma_wait3A_140] : memref<16x128xi32, #tpu.memory_space<vmem>> -> memref<1x128xi32, #tpu.memory_space<vmem>>
    %dma_wait3A_142 = tpu.memref_squeeze %dma_wait3A_141 : memref<1x128xi32, #tpu.memory_space<vmem>> -> memref<128xi32, #tpu.memory_space<vmem>>
    %dma_wait3A_143 = arith.constant 0 : i32
    %dma_wait3A_144 = tpu.memref_slice %arg4[%dma_wait3A_143] : memref<1002001xi32, #tpu.memory_space<hbm>> -> memref<1002001xi32, #tpu.memory_space<hbm>>
    tpu.wait_indirect_dma semaphore(%arg22 : memref<!tpu.dma_semaphore, #tpu.memory_space<semaphore_mem>>) src(%dma_wait3A_144 : memref<1002001xi32, #tpu.memory_space<hbm>>) dst(%dma_wait3A_139 : memref<128xi32, #tpu.memory_space<vmem>>)
    %dma_wait3A_145 = arith.constant 2 : i32
    %dma_wait3A_146 = arith.constant 256 : i32
    %dma_wait3A_147 = tpu.memref_slice %arg14[%dma_wait3A_146] : memref<2048xi32, #tpu.memory_space<vmem>> -> memref<128xi32, #tpu.memory_space<vmem>>
    %dma_wait3A_148 = arith.constant 0 : i32
    %dma_wait3A_149 = tpu.memref_slice %arg12[%dma_wait3A_145, %dma_wait3A_148] : memref<16x128xi32, #tpu.memory_space<vmem>> -> memref<1x128xi32, #tpu.memory_space<vmem>>
    %dma_wait3A_150 = tpu.memref_squeeze %dma_wait3A_149 : memref<1x128xi32, #tpu.memory_space<vmem>> -> memref<128xi32, #tpu.memory_space<vmem>>
    %dma_wait3A_151 = arith.constant 0 : i32
    %dma_wait3A_152 = tpu.memref_slice %arg4[%dma_wait3A_151] : memref<1002001xi32, #tpu.memory_space<hbm>> -> memref<1002001xi32, #tpu.memory_space<hbm>>
    tpu.wait_indirect_dma semaphore(%arg22 : memref<!tpu.dma_semaphore, #tpu.memory_space<semaphore_mem>>) src(%dma_wait3A_152 : memref<1002001xi32, #tpu.memory_space<hbm>>) dst(%dma_wait3A_147 : memref<128xi32, #tpu.memory_space<vmem>>)
    %dma_wait3A_153 = arith.constant 3 : i32
    %dma_wait3A_154 = arith.constant 384 : i32
    %dma_wait3A_155 = tpu.memref_slice %arg14[%dma_wait3A_154] : memref<2048xi32, #tpu.memory_space<vmem>> -> memref<128xi32, #tpu.memory_space<vmem>>
    %dma_wait3A_156 = arith.constant 0 : i32
    %dma_wait3A_157 = tpu.memref_slice %arg12[%dma_wait3A_153, %dma_wait3A_156] : memref<16x128xi32, #tpu.memory_space<vmem>> -> memref<1x128xi32, #tpu.memory_space<vmem>>
    %dma_wait3A_158 = tpu.memref_squeeze %dma_wait3A_157 : memref<1x128xi32, #tpu.memory_space<vmem>> -> memref<128xi32, #tpu.memory_space<vmem>>
    %dma_wait3A_159 = arith.constant 0 : i32
    %dma_wait3A_160 = tpu.memref_slice %arg4[%dma_wait3A_159] : memref<1002001xi32, #tpu.memory_space<hbm>> -> memref<1002001xi32, #tpu.memory_space<hbm>>
    tpu.wait_indirect_dma semaphore(%arg22 : memref<!tpu.dma_semaphore, #tpu.memory_space<semaphore_mem>>) src(%dma_wait3A_160 : memref<1002001xi32, #tpu.memory_space<hbm>>) dst(%dma_wait3A_155 : memref<128xi32, #tpu.memory_space<vmem>>)
    %dma_wait3A_161 = arith.constant 4 : i32
    %dma_wait3A_162 = arith.constant 512 : i32
    %dma_wait3A_163 = tpu.memref_slice %arg14[%dma_wait3A_162] : memref<2048xi32, #tpu.memory_space<vmem>> -> memref<128xi32, #tpu.memory_space<vmem>>
    %dma_wait3A_164 = arith.constant 0 : i32
    %dma_wait3A_165 = tpu.memref_slice %arg12[%dma_wait3A_161, %dma_wait3A_164] : memref<16x128xi32, #tpu.memory_space<vmem>> -> memref<1x128xi32, #tpu.memory_space<vmem>>
    %dma_wait3A_166 = tpu.memref_squeeze %dma_wait3A_165 : memref<1x128xi32, #tpu.memory_space<vmem>> -> memref<128xi32, #tpu.memory_space<vmem>>
    %dma_wait3A_167 = arith.constant 0 : i32
    %dma_wait3A_168 = tpu.memref_slice %arg4[%dma_wait3A_167] : memref<1002001xi32, #tpu.memory_space<hbm>> -> memref<1002001xi32, #tpu.memory_space<hbm>>
    tpu.wait_indirect_dma semaphore(%arg22 : memref<!tpu.dma_semaphore, #tpu.memory_space<semaphore_mem>>) src(%dma_wait3A_168 : memref<1002001xi32, #tpu.memory_space<hbm>>) dst(%dma_wait3A_163 : memref<128xi32, #tpu.memory_space<vmem>>)
    %dma_wait3A_169 = arith.constant 5 : i32
    %dma_wait3A_170 = arith.constant 640 : i32
    %dma_wait3A_171 = tpu.memref_slice %arg14[%dma_wait3A_170] : memref<2048xi32, #tpu.memory_space<vmem>> -> memref<128xi32, #tpu.memory_space<vmem>>
    %dma_wait3A_172 = arith.constant 0 : i32
    %dma_wait3A_173 = tpu.memref_slice %arg12[%dma_wait3A_169, %dma_wait3A_172] : memref<16x128xi32, #tpu.memory_space<vmem>> -> memref<1x128xi32, #tpu.memory_space<vmem>>
    %dma_wait3A_174 = tpu.memref_squeeze %dma_wait3A_173 : memref<1x128xi32, #tpu.memory_space<vmem>> -> memref<128xi32, #tpu.memory_space<vmem>>
    %dma_wait3A_175 = arith.constant 0 : i32
    %dma_wait3A_176 = tpu.memref_slice %arg4[%dma_wait3A_175] : memref<1002001xi32, #tpu.memory_space<hbm>> -> memref<1002001xi32, #tpu.memory_space<hbm>>
    tpu.wait_indirect_dma semaphore(%arg22 : memref<!tpu.dma_semaphore, #tpu.memory_space<semaphore_mem>>) src(%dma_wait3A_176 : memref<1002001xi32, #tpu.memory_space<hbm>>) dst(%dma_wait3A_171 : memref<128xi32, #tpu.memory_space<vmem>>)
    %dma_wait3A_177 = arith.constant 6 : i32
    %dma_wait3A_178 = arith.constant 768 : i32
    %dma_wait3A_179 = tpu.memref_slice %arg14[%dma_wait3A_178] : memref<2048xi32, #tpu.memory_space<vmem>> -> memref<128xi32, #tpu.memory_space<vmem>>
    %dma_wait3A_180 = arith.constant 0 : i32
    %dma_wait3A_181 = tpu.memref_slice %arg12[%dma_wait3A_177, %dma_wait3A_180] : memref<16x128xi32, #tpu.memory_space<vmem>> -> memref<1x128xi32, #tpu.memory_space<vmem>>
    %dma_wait3A_182 = tpu.memref_squeeze %dma_wait3A_181 : memref<1x128xi32, #tpu.memory_space<vmem>> -> memref<128xi32, #tpu.memory_space<vmem>>
    %dma_wait3A_183 = arith.constant 0 : i32
    %dma_wait3A_184 = tpu.memref_slice %arg4[%dma_wait3A_183] : memref<1002001xi32, #tpu.memory_space<hbm>> -> memref<1002001xi32, #tpu.memory_space<hbm>>
    tpu.wait_indirect_dma semaphore(%arg22 : memref<!tpu.dma_semaphore, #tpu.memory_space<semaphore_mem>>) src(%dma_wait3A_184 : memref<1002001xi32, #tpu.memory_space<hbm>>) dst(%dma_wait3A_179 : memref<128xi32, #tpu.memory_space<vmem>>)
    %dma_wait3A_185 = arith.constant 7 : i32
    %dma_wait3A_186 = arith.constant 896 : i32
    %dma_wait3A_187 = tpu.memref_slice %arg14[%dma_wait3A_186] : memref<2048xi32, #tpu.memory_space<vmem>> -> memref<128xi32, #tpu.memory_space<vmem>>
    %dma_wait3A_188 = arith.constant 0 : i32
    %dma_wait3A_189 = tpu.memref_slice %arg12[%dma_wait3A_185, %dma_wait3A_188] : memref<16x128xi32, #tpu.memory_space<vmem>> -> memref<1x128xi32, #tpu.memory_space<vmem>>
    %dma_wait3A_190 = tpu.memref_squeeze %dma_wait3A_189 : memref<1x128xi32, #tpu.memory_space<vmem>> -> memref<128xi32, #tpu.memory_space<vmem>>
    %dma_wait3A_191 = arith.constant 0 : i32
    %dma_wait3A_192 = tpu.memref_slice %arg4[%dma_wait3A_191] : memref<1002001xi32, #tpu.memory_space<hbm>> -> memref<1002001xi32, #tpu.memory_space<hbm>>
    tpu.wait_indirect_dma semaphore(%arg22 : memref<!tpu.dma_semaphore, #tpu.memory_space<semaphore_mem>>) src(%dma_wait3A_192 : memref<1002001xi32, #tpu.memory_space<hbm>>) dst(%dma_wait3A_187 : memref<128xi32, #tpu.memory_space<vmem>>)
    %dma_wait3A_193 = arith.constant 8 : i32
    %dma_wait3A_194 = arith.constant 1024 : i32
    %dma_wait3A_195 = tpu.memref_slice %arg14[%dma_wait3A_194] : memref<2048xi32, #tpu.memory_space<vmem>> -> memref<128xi32, #tpu.memory_space<vmem>>
    %dma_wait3A_196 = arith.constant 0 : i32
    %dma_wait3A_197 = tpu.memref_slice %arg12[%dma_wait3A_193, %dma_wait3A_196] : memref<16x128xi32, #tpu.memory_space<vmem>> -> memref<1x128xi32, #tpu.memory_space<vmem>>
    %dma_wait3A_198 = tpu.memref_squeeze %dma_wait3A_197 : memref<1x128xi32, #tpu.memory_space<vmem>> -> memref<128xi32, #tpu.memory_space<vmem>>
    %dma_wait3A_199 = arith.constant 0 : i32
    %dma_wait3A_200 = tpu.memref_slice %arg4[%dma_wait3A_199] : memref<1002001xi32, #tpu.memory_space<hbm>> -> memref<1002001xi32, #tpu.memory_space<hbm>>
    tpu.wait_indirect_dma semaphore(%arg22 : memref<!tpu.dma_semaphore, #tpu.memory_space<semaphore_mem>>) src(%dma_wait3A_200 : memref<1002001xi32, #tpu.memory_space<hbm>>) dst(%dma_wait3A_195 : memref<128xi32, #tpu.memory_space<vmem>>)
    %dma_wait3A_201 = arith.constant 9 : i32
    %dma_wait3A_202 = arith.constant 1152 : i32
    %dma_wait3A_203 = tpu.memref_slice %arg14[%dma_wait3A_202] : memref<2048xi32, #tpu.memory_space<vmem>> -> memref<128xi32, #tpu.memory_space<vmem>>
    %dma_wait3A_204 = arith.constant 0 : i32
    %dma_wait3A_205 = tpu.memref_slice %arg12[%dma_wait3A_201, %dma_wait3A_204] : memref<16x128xi32, #tpu.memory_space<vmem>> -> memref<1x128xi32, #tpu.memory_space<vmem>>
    %dma_wait3A_206 = tpu.memref_squeeze %dma_wait3A_205 : memref<1x128xi32, #tpu.memory_space<vmem>> -> memref<128xi32, #tpu.memory_space<vmem>>
    %dma_wait3A_207 = arith.constant 0 : i32
    %dma_wait3A_208 = tpu.memref_slice %arg4[%dma_wait3A_207] : memref<1002001xi32, #tpu.memory_space<hbm>> -> memref<1002001xi32, #tpu.memory_space<hbm>>
    tpu.wait_indirect_dma semaphore(%arg22 : memref<!tpu.dma_semaphore, #tpu.memory_space<semaphore_mem>>) src(%dma_wait3A_208 : memref<1002001xi32, #tpu.memory_space<hbm>>) dst(%dma_wait3A_203 : memref<128xi32, #tpu.memory_space<vmem>>)
    %dma_wait3A_209 = arith.constant 10 : i32
    %dma_wait3A_210 = arith.constant 1280 : i32
    %dma_wait3A_211 = tpu.memref_slice %arg14[%dma_wait3A_210] : memref<2048xi32, #tpu.memory_space<vmem>> -> memref<128xi32, #tpu.memory_space<vmem>>
    %dma_wait3A_212 = arith.constant 0 : i32
    %dma_wait3A_213 = tpu.memref_slice %arg12[%dma_wait3A_209, %dma_wait3A_212] : memref<16x128xi32, #tpu.memory_space<vmem>> -> memref<1x128xi32, #tpu.memory_space<vmem>>
    %dma_wait3A_214 = tpu.memref_squeeze %dma_wait3A_213 : memref<1x128xi32, #tpu.memory_space<vmem>> -> memref<128xi32, #tpu.memory_space<vmem>>
    %dma_wait3A_215 = arith.constant 0 : i32
    %dma_wait3A_216 = tpu.memref_slice %arg4[%dma_wait3A_215] : memref<1002001xi32, #tpu.memory_space<hbm>> -> memref<1002001xi32, #tpu.memory_space<hbm>>
    tpu.wait_indirect_dma semaphore(%arg22 : memref<!tpu.dma_semaphore, #tpu.memory_space<semaphore_mem>>) src(%dma_wait3A_216 : memref<1002001xi32, #tpu.memory_space<hbm>>) dst(%dma_wait3A_211 : memref<128xi32, #tpu.memory_space<vmem>>)
    %dma_wait3A_217 = arith.constant 11 : i32
    %dma_wait3A_218 = arith.constant 1408 : i32
    %dma_wait3A_219 = tpu.memref_slice %arg14[%dma_wait3A_218] : memref<2048xi32, #tpu.memory_space<vmem>> -> memref<128xi32, #tpu.memory_space<vmem>>
    %dma_wait3A_220 = arith.constant 0 : i32
    %dma_wait3A_221 = tpu.memref_slice %arg12[%dma_wait3A_217, %dma_wait3A_220] : memref<16x128xi32, #tpu.memory_space<vmem>> -> memref<1x128xi32, #tpu.memory_space<vmem>>
    %dma_wait3A_222 = tpu.memref_squeeze %dma_wait3A_221 : memref<1x128xi32, #tpu.memory_space<vmem>> -> memref<128xi32, #tpu.memory_space<vmem>>
    %dma_wait3A_223 = arith.constant 0 : i32
    %dma_wait3A_224 = tpu.memref_slice %arg4[%dma_wait3A_223] : memref<1002001xi32, #tpu.memory_space<hbm>> -> memref<1002001xi32, #tpu.memory_space<hbm>>
    tpu.wait_indirect_dma semaphore(%arg22 : memref<!tpu.dma_semaphore, #tpu.memory_space<semaphore_mem>>) src(%dma_wait3A_224 : memref<1002001xi32, #tpu.memory_space<hbm>>) dst(%dma_wait3A_219 : memref<128xi32, #tpu.memory_space<vmem>>)
    %dma_wait3A_225 = arith.constant 12 : i32
    %dma_wait3A_226 = arith.constant 1536 : i32
    %dma_wait3A_227 = tpu.memref_slice %arg14[%dma_wait3A_226] : memref<2048xi32, #tpu.memory_space<vmem>> -> memref<128xi32, #tpu.memory_space<vmem>>
    %dma_wait3A_228 = arith.constant 0 : i32
    %dma_wait3A_229 = tpu.memref_slice %arg12[%dma_wait3A_225, %dma_wait3A_228] : memref<16x128xi32, #tpu.memory_space<vmem>> -> memref<1x128xi32, #tpu.memory_space<vmem>>
    %dma_wait3A_230 = tpu.memref_squeeze %dma_wait3A_229 : memref<1x128xi32, #tpu.memory_space<vmem>> -> memref<128xi32, #tpu.memory_space<vmem>>
    %dma_wait3A_231 = arith.constant 0 : i32
    %dma_wait3A_232 = tpu.memref_slice %arg4[%dma_wait3A_231] : memref<1002001xi32, #tpu.memory_space<hbm>> -> memref<1002001xi32, #tpu.memory_space<hbm>>
    tpu.wait_indirect_dma semaphore(%arg22 : memref<!tpu.dma_semaphore, #tpu.memory_space<semaphore_mem>>) src(%dma_wait3A_232 : memref<1002001xi32, #tpu.memory_space<hbm>>) dst(%dma_wait3A_227 : memref<128xi32, #tpu.memory_space<vmem>>)
    %dma_wait3A_233 = arith.constant 13 : i32
    %dma_wait3A_234 = arith.constant 1664 : i32
    %dma_wait3A_235 = tpu.memref_slice %arg14[%dma_wait3A_234] : memref<2048xi32, #tpu.memory_space<vmem>> -> memref<128xi32, #tpu.memory_space<vmem>>
    %dma_wait3A_236 = arith.constant 0 : i32
    %dma_wait3A_237 = tpu.memref_slice %arg12[%dma_wait3A_233, %dma_wait3A_236] : memref<16x128xi32, #tpu.memory_space<vmem>> -> memref<1x128xi32, #tpu.memory_space<vmem>>
    %dma_wait3A_238 = tpu.memref_squeeze %dma_wait3A_237 : memref<1x128xi32, #tpu.memory_space<vmem>> -> memref<128xi32, #tpu.memory_space<vmem>>
    %dma_wait3A_239 = arith.constant 0 : i32
    %dma_wait3A_240 = tpu.memref_slice %arg4[%dma_wait3A_239] : memref<1002001xi32, #tpu.memory_space<hbm>> -> memref<1002001xi32, #tpu.memory_space<hbm>>
    tpu.wait_indirect_dma semaphore(%arg22 : memref<!tpu.dma_semaphore, #tpu.memory_space<semaphore_mem>>) src(%dma_wait3A_240 : memref<1002001xi32, #tpu.memory_space<hbm>>) dst(%dma_wait3A_235 : memref<128xi32, #tpu.memory_space<vmem>>)
    %dma_wait3A_241 = arith.constant 14 : i32
    %dma_wait3A_242 = arith.constant 1792 : i32
    %dma_wait3A_243 = tpu.memref_slice %arg14[%dma_wait3A_242] : memref<2048xi32, #tpu.memory_space<vmem>> -> memref<128xi32, #tpu.memory_space<vmem>>
    %dma_wait3A_244 = arith.constant 0 : i32
    %dma_wait3A_245 = tpu.memref_slice %arg12[%dma_wait3A_241, %dma_wait3A_244] : memref<16x128xi32, #tpu.memory_space<vmem>> -> memref<1x128xi32, #tpu.memory_space<vmem>>
    %dma_wait3A_246 = tpu.memref_squeeze %dma_wait3A_245 : memref<1x128xi32, #tpu.memory_space<vmem>> -> memref<128xi32, #tpu.memory_space<vmem>>
    %dma_wait3A_247 = arith.constant 0 : i32
    %dma_wait3A_248 = tpu.memref_slice %arg4[%dma_wait3A_247] : memref<1002001xi32, #tpu.memory_space<hbm>> -> memref<1002001xi32, #tpu.memory_space<hbm>>
    tpu.wait_indirect_dma semaphore(%arg22 : memref<!tpu.dma_semaphore, #tpu.memory_space<semaphore_mem>>) src(%dma_wait3A_248 : memref<1002001xi32, #tpu.memory_space<hbm>>) dst(%dma_wait3A_243 : memref<128xi32, #tpu.memory_space<vmem>>)
    %dma_wait3A_249 = arith.constant 15 : i32
    %dma_wait3A_250 = arith.constant 1920 : i32
    %dma_wait3A_251 = tpu.memref_slice %arg14[%dma_wait3A_250] : memref<2048xi32, #tpu.memory_space<vmem>> -> memref<128xi32, #tpu.memory_space<vmem>>
    %dma_wait3A_252 = arith.constant 0 : i32
    %dma_wait3A_253 = tpu.memref_slice %arg12[%dma_wait3A_249, %dma_wait3A_252] : memref<16x128xi32, #tpu.memory_space<vmem>> -> memref<1x128xi32, #tpu.memory_space<vmem>>
    %dma_wait3A_254 = tpu.memref_squeeze %dma_wait3A_253 : memref<1x128xi32, #tpu.memory_space<vmem>> -> memref<128xi32, #tpu.memory_space<vmem>>
    %dma_wait3A_255 = arith.constant 0 : i32
    %dma_wait3A_256 = tpu.memref_slice %arg4[%dma_wait3A_255] : memref<1002001xi32, #tpu.memory_space<hbm>> -> memref<1002001xi32, #tpu.memory_space<hbm>>
    tpu.wait_indirect_dma semaphore(%arg22 : memref<!tpu.dma_semaphore, #tpu.memory_space<semaphore_mem>>) src(%dma_wait3A_256 : memref<1002001xi32, #tpu.memory_space<hbm>>) dst(%dma_wait3A_251 : memref<128xi32, #tpu.memory_space<vmem>>)
    %broadcast_in_dim3A = arith.constant 0 : i32
    %broadcast_in_dim3A_257 = vector.broadcast %broadcast_in_dim3A : i32 to vector<16xi32>
    %broadcast_in_dim3A_258 = arith.constant 1 : i32
    %broadcast_in_dim3A_259 = vector.broadcast %broadcast_in_dim3A_258 : i32 to vector<16xi32>
    %broadcast_in_dim3A_260 = arith.constant 2 : i32
    %broadcast_in_dim3A_261 = vector.broadcast %broadcast_in_dim3A_260 : i32 to vector<16xi32>
    %scan3A = arith.constant 0 : i32
    %scan3A_262 = arith.constant 0 : i32
    %scan3A_263 = arith.constant 128 : i32
    %scan3A_264 = arith.addi %scan3A_262, %scan3A_263 : i32
    %scan3A_265 = arith.constant 1 : i32
    scf.for %scan3A_267 = %scan3A_262 to %scan3A_264 step %scan3A_265  : i32 {
      %mul3A_268 = arith.constant 16 : i32
      %mul3A_269 = arith.muli %scan3A_267, %mul3A_268 : i32
      %get3A = arith.index_cast %mul3A_269 : i32 to index
      %get3A_270 = tpu.vector_load %arg14[%get3A] {strides = array<i32>} : memref<2048xi32, #tpu.memory_space<vmem>>, vector<16xi32>,
      %jit3A = arith.constant 16 : i32
      %div3A = arith.divsi %scan3A_267, %jit3A : i32
      %sign3A = arith.constant 0 : i32
      %sign3A_271 = arith.cmpi sgt, %scan3A_267, %sign3A : i32
      %sign3A_272 = arith.extui %sign3A_271 : i1 to i32
      %sign3A_273 = arith.constant 0 : i32
      %sign3A_274 = arith.cmpi slt, %scan3A_267, %sign3A_273 : i32
      %sign3A_275 = arith.extui %sign3A_274 : i1 to i32
      %sign3A_276 = arith.subi %sign3A_272, %sign3A_275 : i32
      %sign3A_277 = arith.constant 0 : i32
      %sign3A_278 = arith.cmpi sgt, %jit3A, %sign3A_277 : i32
      %sign3A_279 = arith.extui %sign3A_278 : i1 to i32
      %sign3A_280 = arith.constant 0 : i32
      %sign3A_281 = arith.cmpi slt, %jit3A, %sign3A_280 : i32
      %sign3A_282 = arith.extui %sign3A_281 : i1 to i32
      %sign3A_283 = arith.subi %sign3A_279, %sign3A_282 : i32
      %ne3A = arith.cmpi ne, %sign3A_276, %sign3A_283 : i32
      %rem3A = arith.remsi %scan3A_267, %jit3A : i32
      %ne3A_284 = arith.constant 0 : i32
      %ne3A_285 = arith.cmpi ne, %rem3A, %ne3A_284 : i32
      %and3A = arith.andi %ne3A, %ne3A_285 : i1
      %sub3A = arith.constant 1 : i32
      %sub3A_286 = arith.subi %div3A, %sub3A : i32
      %select_n3A = arith.select %and3A, %sub3A_286, %div3A : i32
      %jit3A_287 = arith.constant 16 : i32
      %eq3A = arith.constant 0 : i32
      %eq3A_288 = arith.cmpi eq, %jit3A_287, %eq3A : i32
      %jit3A_289 = arith.constant 1 : i32
      %select_n3A_290 = arith.select %eq3A_288, %jit3A_289, %jit3A_287 : i32
      %rem3A_291 = arith.remsi %scan3A_267, %select_n3A_290 : i32
      %ne3A_292 = arith.constant 0 : i32
      %ne3A_293 = arith.cmpi ne, %rem3A_291, %ne3A_292 : i32
      %lt3A = arith.constant 0 : i32
      %lt3A_294 = arith.cmpi slt, %rem3A_291, %lt3A : i32
      %lt3A_295 = arith.constant 0 : i32
      %lt3A_296 = arith.cmpi slt, %select_n3A_290, %lt3A_295 : i32
      %ne3A_297 = arith.xori %lt3A_294, %lt3A_296 : i1
      %and3A_298 = arith.andi %ne3A_297, %ne3A_293 : i1
      %add3A_299 = arith.addi %rem3A_291, %select_n3A_290 : i32
      %select_n3A_300 = arith.select %and3A_298, %add3A_299, %rem3A_291 : i32
      %mul3A_301 = arith.constant 16 : i32
      %mul3A_302 = arith.muli %select_n3A_300, %mul3A_301 : i32
      %mul3A_303 = arith.constant 16 : i32
      %mul3A_304 = arith.muli %scan3A_267, %mul3A_303 : i32
      %get3A_305 = arith.constant 0 : i32
      %get3A_306 = arith.index_cast %get3A_305 : i32 to index
      %get3A_307 = arith.index_cast %mul3A_304 : i32 to index
      %get3A_308 = tpu.vector_load %arg13[%get3A_306, %get3A_307] {strides = array<i32>} : memref<2x2048xf32, #tpu.memory_space<vmem>>, vector<16xf32>,
      %swap3A = arith.constant 0 : i32
      %swap3A_309 = arith.index_cast %swap3A : i32 to index
      %swap3A_310 = arith.index_cast %select_n3A : i32 to index
      %swap3A_311 = arith.index_cast %mul3A_302 : i32 to index
      %swap3A_312 = tpu.vector_load %arg21[%swap3A_309, %swap3A_310, %swap3A_311] {strides = array<i32>} : memref<2x8x256xf32, #tpu.memory_space<vmem>>, vector<16xf32>,
      tpu.vector_store %arg21[%swap3A_309, %swap3A_310, %swap3A_311], %get3A_308 {strides = array<i32>} : memref<2x8x256xf32, #tpu.memory_space<vmem>>, vector<16xf32>,
      %mul3A_313 = arith.constant 16 : i32
      %mul3A_314 = arith.muli %scan3A_267, %mul3A_313 : i32
      %get3A_315 = arith.constant 1 : i32
      %get3A_316 = arith.index_cast %get3A_315 : i32 to index
      %get3A_317 = arith.index_cast %mul3A_314 : i32 to index
      %get3A_318 = tpu.vector_load %arg13[%get3A_316, %get3A_317] {strides = array<i32>} : memref<2x2048xf32, #tpu.memory_space<vmem>>, vector<16xf32>,
      %swap3A_319 = arith.constant 1 : i32
      %swap3A_320 = arith.index_cast %swap3A_319 : i32 to index
      %swap3A_321 = arith.index_cast %select_n3A : i32 to index
      %swap3A_322 = arith.index_cast %mul3A_302 : i32 to index
      %swap3A_323 = tpu.vector_load %arg21[%swap3A_320, %swap3A_321, %swap3A_322] {strides = array<i32>} : memref<2x8x256xf32, #tpu.memory_space<vmem>>, vector<16xf32>,
      tpu.vector_store %arg21[%swap3A_320, %swap3A_321, %swap3A_322], %get3A_318 {strides = array<i32>} : memref<2x8x256xf32, #tpu.memory_space<vmem>>, vector<16xf32>,
      %gather3A = tpu.vector_load_idx %arg15[%broadcast_in_dim3A_257, %get3A_270] : memref<3x1280xi32, #tpu.memory_space<vmem>>[vector<16xi32>, vector<16xi32>], vector<16xi32>,
      %mul3A_324 = arith.constant 16 : i32
      %mul3A_325 = arith.muli %scan3A_267, %mul3A_324 : i32
      %swap3A_326 = arith.constant 0 : i32
      %swap3A_327 = arith.index_cast %swap3A_326 : i32 to index
      %swap3A_328 = arith.index_cast %mul3A_325 : i32 to index
      %swap3A_329 = tpu.vector_load %arg18[%swap3A_327, %swap3A_328] {strides = array<i32>} : memref<3x2048xi32, #tpu.memory_space<vmem>>, vector<16xi32>,
      tpu.vector_store %arg18[%swap3A_327, %swap3A_328], %gather3A {strides = array<i32>} : memref<3x2048xi32, #tpu.memory_space<vmem>>, vector<16xi32>,
      %gather3A_330 = tpu.vector_load_idx %arg16[%broadcast_in_dim3A_257, %gather3A] : memref<3x648xf32, #tpu.memory_space<vmem>>[vector<16xi32>, vector<16xi32>], vector<16xf32>,
      %swap3A_331 = arith.constant 0 : i32
      %swap3A_332 = arith.index_cast %swap3A_331 : i32 to index
      %swap3A_333 = arith.index_cast %select_n3A : i32 to index
      %swap3A_334 = arith.index_cast %mul3A_302 : i32 to index
      %swap3A_335 = tpu.vector_load %arg19[%swap3A_332, %swap3A_333, %swap3A_334] {strides = array<i32>} : memref<9x8x256xf32, #tpu.memory_space<vmem>>, vector<16xf32>,
      tpu.vector_store %arg19[%swap3A_332, %swap3A_333, %swap3A_334], %gather3A_330 {strides = array<i32>} : memref<9x8x256xf32, #tpu.memory_space<vmem>>, vector<16xf32>,
      %gather3A_336 = tpu.vector_load_idx %arg16[%broadcast_in_dim3A_259, %gather3A] : memref<3x648xf32, #tpu.memory_space<vmem>>[vector<16xi32>, vector<16xi32>], vector<16xf32>,
      %swap3A_337 = arith.constant 1 : i32
      %swap3A_338 = arith.index_cast %swap3A_337 : i32 to index
      %swap3A_339 = arith.index_cast %select_n3A : i32 to index
      %swap3A_340 = arith.index_cast %mul3A_302 : i32 to index
      %swap3A_341 = tpu.vector_load %arg19[%swap3A_338, %swap3A_339, %swap3A_340] {strides = array<i32>} : memref<9x8x256xf32, #tpu.memory_space<vmem>>, vector<16xf32>,
      tpu.vector_store %arg19[%swap3A_338, %swap3A_339, %swap3A_340], %gather3A_336 {strides = array<i32>} : memref<9x8x256xf32, #tpu.memory_space<vmem>>, vector<16xf32>,
      %gather3A_342 = tpu.vector_load_idx %arg16[%broadcast_in_dim3A_261, %gather3A] : memref<3x648xf32, #tpu.memory_space<vmem>>[vector<16xi32>, vector<16xi32>], vector<16xf32>,
      %swap3A_343 = arith.constant 2 : i32
      %swap3A_344 = arith.index_cast %swap3A_343 : i32 to index
      %swap3A_345 = arith.index_cast %select_n3A : i32 to index
      %swap3A_346 = arith.index_cast %mul3A_302 : i32 to index
      %swap3A_347 = tpu.vector_load %arg19[%swap3A_344, %swap3A_345, %swap3A_346] {strides = array<i32>} : memref<9x8x256xf32, #tpu.memory_space<vmem>>, vector<16xf32>,
      tpu.vector_store %arg19[%swap3A_344, %swap3A_345, %swap3A_346], %gather3A_342 {strides = array<i32>} : memref<9x8x256xf32, #tpu.memory_space<vmem>>, vector<16xf32>,
      %gather3A_348 = tpu.vector_load_idx %arg17[%broadcast_in_dim3A_257, %gather3A] : memref<3x648xf32, #tpu.memory_space<vmem>>[vector<16xi32>, vector<16xi32>], vector<16xf32>,
      %swap3A_349 = arith.constant 0 : i32
      %swap3A_350 = arith.index_cast %swap3A_349 : i32 to index
      %swap3A_351 = arith.index_cast %select_n3A : i32 to index
      %swap3A_352 = arith.index_cast %mul3A_302 : i32 to index
      %swap3A_353 = tpu.vector_load %arg20[%swap3A_350, %swap3A_351, %swap3A_352] {strides = array<i32>} : memref<9x8x256xf32, #tpu.memory_space<vmem>>, vector<16xf32>,
      tpu.vector_store %arg20[%swap3A_350, %swap3A_351, %swap3A_352], %gather3A_348 {strides = array<i32>} : memref<9x8x256xf32, #tpu.memory_space<vmem>>, vector<16xf32>,
      %gather3A_354 = tpu.vector_load_idx %arg17[%broadcast_in_dim3A_259, %gather3A] : memref<3x648xf32, #tpu.memory_space<vmem>>[vector<16xi32>, vector<16xi32>], vector<16xf32>,
      %swap3A_355 = arith.constant 1 : i32
      %swap3A_356 = arith.index_cast %swap3A_355 : i32 to index
      %swap3A_357 = arith.index_cast %select_n3A : i32 to index
      %swap3A_358 = arith.index_cast %mul3A_302 : i32 to index
      %swap3A_359 = tpu.vector_load %arg20[%swap3A_356, %swap3A_357, %swap3A_358] {strides = array<i32>} : memref<9x8x256xf32, #tpu.memory_space<vmem>>, vector<16xf32>,
      tpu.vector_store %arg20[%swap3A_356, %swap3A_357, %swap3A_358], %gather3A_354 {strides = array<i32>} : memref<9x8x256xf32, #tpu.memory_space<vmem>>, vector<16xf32>,
      %gather3A_360 = tpu.vector_load_idx %arg17[%broadcast_in_dim3A_261, %gather3A] : memref<3x648xf32, #tpu.memory_space<vmem>>[vector<16xi32>, vector<16xi32>], vector<16xf32>,
      %swap3A_361 = arith.constant 2 : i32
      %swap3A_362 = arith.index_cast %swap3A_361 : i32 to index
      %swap3A_363 = arith.index_cast %select_n3A : i32 to index
      %swap3A_364 = arith.index_cast %mul3A_302 : i32 to index
      %swap3A_365 = tpu.vector_load %arg20[%swap3A_362, %swap3A_363, %swap3A_364] {strides = array<i32>} : memref<9x8x256xf32, #tpu.memory_space<vmem>>, vector<16xf32>,
      tpu.vector_store %arg20[%swap3A_362, %swap3A_363, %swap3A_364], %gather3A_360 {strides = array<i32>} : memref<9x8x256xf32, #tpu.memory_space<vmem>>, vector<16xf32>,
      %gather3A_366 = tpu.vector_load_idx %arg15[%broadcast_in_dim3A_259, %get3A_270] : memref<3x1280xi32, #tpu.memory_space<vmem>>[vector<16xi32>, vector<16xi32>], vector<16xi32>,
      %mul3A_367 = arith.constant 16 : i32
      %mul3A_368 = arith.muli %scan3A_267, %mul3A_367 : i32
      %swap3A_369 = arith.constant 1 : i32
      %swap3A_370 = arith.index_cast %swap3A_369 : i32 to index
      %swap3A_371 = arith.index_cast %mul3A_368 : i32 to index
      %swap3A_372 = tpu.vector_load %arg18[%swap3A_370, %swap3A_371] {strides = array<i32>} : memref<3x2048xi32, #tpu.memory_space<vmem>>, vector<16xi32>,
      tpu.vector_store %arg18[%swap3A_370, %swap3A_371], %gather3A_366 {strides = array<i32>} : memref<3x2048xi32, #tpu.memory_space<vmem>>, vector<16xi32>,
      %gather3A_373 = tpu.vector_load_idx %arg16[%broadcast_in_dim3A_257, %gather3A_366] : memref<3x648xf32, #tpu.memory_space<vmem>>[vector<16xi32>, vector<16xi32>], vector<16xf32>,
      %swap3A_374 = arith.constant 3 : i32
      %swap3A_375 = arith.index_cast %swap3A_374 : i32 to index
      %swap3A_376 = arith.index_cast %select_n3A : i32 to index
      %swap3A_377 = arith.index_cast %mul3A_302 : i32 to index
      %swap3A_378 = tpu.vector_load %arg19[%swap3A_375, %swap3A_376, %swap3A_377] {strides = array<i32>} : memref<9x8x256xf32, #tpu.memory_space<vmem>>, vector<16xf32>,
      tpu.vector_store %arg19[%swap3A_375, %swap3A_376, %swap3A_377], %gather3A_373 {strides = array<i32>} : memref<9x8x256xf32, #tpu.memory_space<vmem>>, vector<16xf32>,
      %gather3A_379 = tpu.vector_load_idx %arg16[%broadcast_in_dim3A_259, %gather3A_366] : memref<3x648xf32, #tpu.memory_space<vmem>>[vector<16xi32>, vector<16xi32>], vector<16xf32>,
      %swap3A_380 = arith.constant 4 : i32
      %swap3A_381 = arith.index_cast %swap3A_380 : i32 to index
      %swap3A_382 = arith.index_cast %select_n3A : i32 to index
      %swap3A_383 = arith.index_cast %mul3A_302 : i32 to index
      %swap3A_384 = tpu.vector_load %arg19[%swap3A_381, %swap3A_382, %swap3A_383] {strides = array<i32>} : memref<9x8x256xf32, #tpu.memory_space<vmem>>, vector<16xf32>,
      tpu.vector_store %arg19[%swap3A_381, %swap3A_382, %swap3A_383], %gather3A_379 {strides = array<i32>} : memref<9x8x256xf32, #tpu.memory_space<vmem>>, vector<16xf32>,
      %gather3A_385 = tpu.vector_load_idx %arg16[%broadcast_in_dim3A_261, %gather3A_366] : memref<3x648xf32, #tpu.memory_space<vmem>>[vector<16xi32>, vector<16xi32>], vector<16xf32>,
      %swap3A_386 = arith.constant 5 : i32
      %swap3A_387 = arith.index_cast %swap3A_386 : i32 to index
      %swap3A_388 = arith.index_cast %select_n3A : i32 to index
      %swap3A_389 = arith.index_cast %mul3A_302 : i32 to index
      %swap3A_390 = tpu.vector_load %arg19[%swap3A_387, %swap3A_388, %swap3A_389] {strides = array<i32>} : memref<9x8x256xf32, #tpu.memory_space<vmem>>, vector<16xf32>,
      tpu.vector_store %arg19[%swap3A_387, %swap3A_388, %swap3A_389], %gather3A_385 {strides = array<i32>} : memref<9x8x256xf32, #tpu.memory_space<vmem>>, vector<16xf32>,
      %gather3A_391 = tpu.vector_load_idx %arg17[%broadcast_in_dim3A_257, %gather3A_366] : memref<3x648xf32, #tpu.memory_space<vmem>>[vector<16xi32>, vector<16xi32>], vector<16xf32>,
      %swap3A_392 = arith.constant 3 : i32
      %swap3A_393 = arith.index_cast %swap3A_392 : i32 to index
      %swap3A_394 = arith.index_cast %select_n3A : i32 to index
      %swap3A_395 = arith.index_cast %mul3A_302 : i32 to index
      %swap3A_396 = tpu.vector_load %arg20[%swap3A_393, %swap3A_394, %swap3A_395] {strides = array<i32>} : memref<9x8x256xf32, #tpu.memory_space<vmem>>, vector<16xf32>,
      tpu.vector_store %arg20[%swap3A_393, %swap3A_394, %swap3A_395], %gather3A_391 {strides = array<i32>} : memref<9x8x256xf32, #tpu.memory_space<vmem>>, vector<16xf32>,
      %gather3A_397 = tpu.vector_load_idx %arg17[%broadcast_in_dim3A_259, %gather3A_366] : memref<3x648xf32, #tpu.memory_space<vmem>>[vector<16xi32>, vector<16xi32>], vector<16xf32>,
      %swap3A_398 = arith.constant 4 : i32
      %swap3A_399 = arith.index_cast %swap3A_398 : i32 to index
      %swap3A_400 = arith.index_cast %select_n3A : i32 to index
      %swap3A_401 = arith.index_cast %mul3A_302 : i32 to index
      %swap3A_402 = tpu.vector_load %arg20[%swap3A_399, %swap3A_400, %swap3A_401] {strides = array<i32>} : memref<9x8x256xf32, #tpu.memory_space<vmem>>, vector<16xf32>,
      tpu.vector_store %arg20[%swap3A_399, %swap3A_400, %swap3A_401], %gather3A_397 {strides = array<i32>} : memref<9x8x256xf32, #tpu.memory_space<vmem>>, vector<16xf32>,
      %gather3A_403 = tpu.vector_load_idx %arg17[%broadcast_in_dim3A_261, %gather3A_366] : memref<3x648xf32, #tpu.memory_space<vmem>>[vector<16xi32>, vector<16xi32>], vector<16xf32>,
      %swap3A_404 = arith.constant 5 : i32
      %swap3A_405 = arith.index_cast %swap3A_404 : i32 to index
      %swap3A_406 = arith.index_cast %select_n3A : i32 to index
      %swap3A_407 = arith.index_cast %mul3A_302 : i32 to index
      %swap3A_408 = tpu.vector_load %arg20[%swap3A_405, %swap3A_406, %swap3A_407] {strides = array<i32>} : memref<9x8x256xf32, #tpu.memory_space<vmem>>, vector<16xf32>,
      tpu.vector_store %arg20[%swap3A_405, %swap3A_406, %swap3A_407], %gather3A_403 {strides = array<i32>} : memref<9x8x256xf32, #tpu.memory_space<vmem>>, vector<16xf32>,
      %gather3A_409 = tpu.vector_load_idx %arg15[%broadcast_in_dim3A_261, %get3A_270] : memref<3x1280xi32, #tpu.memory_space<vmem>>[vector<16xi32>, vector<16xi32>], vector<16xi32>,
      %mul3A_410 = arith.constant 16 : i32
      %mul3A_411 = arith.muli %scan3A_267, %mul3A_410 : i32
      %swap3A_412 = arith.constant 2 : i32
      %swap3A_413 = arith.index_cast %swap3A_412 : i32 to index
      %swap3A_414 = arith.index_cast %mul3A_411 : i32 to index
      %swap3A_415 = tpu.vector_load %arg18[%swap3A_413, %swap3A_414] {strides = array<i32>} : memref<3x2048xi32, #tpu.memory_space<vmem>>, vector<16xi32>,
      tpu.vector_store %arg18[%swap3A_413, %swap3A_414], %gather3A_409 {strides = array<i32>} : memref<3x2048xi32, #tpu.memory_space<vmem>>, vector<16xi32>,
      %gather3A_416 = tpu.vector_load_idx %arg16[%broadcast_in_dim3A_257, %gather3A_409] : memref<3x648xf32, #tpu.memory_space<vmem>>[vector<16xi32>, vector<16xi32>], vector<16xf32>,
      %swap3A_417 = arith.constant 6 : i32
      %swap3A_418 = arith.index_cast %swap3A_417 : i32 to index
      %swap3A_419 = arith.index_cast %select_n3A : i32 to index
      %swap3A_420 = arith.index_cast %mul3A_302 : i32 to index
      %swap3A_421 = tpu.vector_load %arg19[%swap3A_418, %swap3A_419, %swap3A_420] {strides = array<i32>} : memref<9x8x256xf32, #tpu.memory_space<vmem>>, vector<16xf32>,
      tpu.vector_store %arg19[%swap3A_418, %swap3A_419, %swap3A_420], %gather3A_416 {strides = array<i32>} : memref<9x8x256xf32, #tpu.memory_space<vmem>>, vector<16xf32>,
      %gather3A_422 = tpu.vector_load_idx %arg16[%broadcast_in_dim3A_259, %gather3A_409] : memref<3x648xf32, #tpu.memory_space<vmem>>[vector<16xi32>, vector<16xi32>], vector<16xf32>,
      %swap3A_423 = arith.constant 7 : i32
      %swap3A_424 = arith.index_cast %swap3A_423 : i32 to index
      %swap3A_425 = arith.index_cast %select_n3A : i32 to index
      %swap3A_426 = arith.index_cast %mul3A_302 : i32 to index
      %swap3A_427 = tpu.vector_load %arg19[%swap3A_424, %swap3A_425, %swap3A_426] {strides = array<i32>} : memref<9x8x256xf32, #tpu.memory_space<vmem>>, vector<16xf32>,
      tpu.vector_store %arg19[%swap3A_424, %swap3A_425, %swap3A_426], %gather3A_422 {strides = array<i32>} : memref<9x8x256xf32, #tpu.memory_space<vmem>>, vector<16xf32>,
      %gather3A_428 = tpu.vector_load_idx %arg16[%broadcast_in_dim3A_261, %gather3A_409] : memref<3x648xf32, #tpu.memory_space<vmem>>[vector<16xi32>, vector<16xi32>], vector<16xf32>,
      %swap3A_429 = arith.constant 8 : i32
      %swap3A_430 = arith.index_cast %swap3A_429 : i32 to index
      %swap3A_431 = arith.index_cast %select_n3A : i32 to index
      %swap3A_432 = arith.index_cast %mul3A_302 : i32 to index
      %swap3A_433 = tpu.vector_load %arg19[%swap3A_430, %swap3A_431, %swap3A_432] {strides = array<i32>} : memref<9x8x256xf32, #tpu.memory_space<vmem>>, vector<16xf32>,
      tpu.vector_store %arg19[%swap3A_430, %swap3A_431, %swap3A_432], %gather3A_428 {strides = array<i32>} : memref<9x8x256xf32, #tpu.memory_space<vmem>>, vector<16xf32>,
      %gather3A_434 = tpu.vector_load_idx %arg17[%broadcast_in_dim3A_257, %gather3A_409] : memref<3x648xf32, #tpu.memory_space<vmem>>[vector<16xi32>, vector<16xi32>], vector<16xf32>,
      %swap3A_435 = arith.constant 6 : i32
      %swap3A_436 = arith.index_cast %swap3A_435 : i32 to index
      %swap3A_437 = arith.index_cast %select_n3A : i32 to index
      %swap3A_438 = arith.index_cast %mul3A_302 : i32 to index
      %swap3A_439 = tpu.vector_load %arg20[%swap3A_436, %swap3A_437, %swap3A_438] {strides = array<i32>} : memref<9x8x256xf32, #tpu.memory_space<vmem>>, vector<16xf32>,
      tpu.vector_store %arg20[%swap3A_436, %swap3A_437, %swap3A_438], %gather3A_434 {strides = array<i32>} : memref<9x8x256xf32, #tpu.memory_space<vmem>>, vector<16xf32>,
      %gather3A_440 = tpu.vector_load_idx %arg17[%broadcast_in_dim3A_259, %gather3A_409] : memref<3x648xf32, #tpu.memory_space<vmem>>[vector<16xi32>, vector<16xi32>], vector<16xf32>,
      %swap3A_441 = arith.constant 7 : i32
      %swap3A_442 = arith.index_cast %swap3A_441 : i32 to index
      %swap3A_443 = arith.index_cast %select_n3A : i32 to index
      %swap3A_444 = arith.index_cast %mul3A_302 : i32 to index
      %swap3A_445 = tpu.vector_load %arg20[%swap3A_442, %swap3A_443, %swap3A_444] {strides = array<i32>} : memref<9x8x256xf32, #tpu.memory_space<vmem>>, vector<16xf32>,
      tpu.vector_store %arg20[%swap3A_442, %swap3A_443, %swap3A_444], %gather3A_440 {strides = array<i32>} : memref<9x8x256xf32, #tpu.memory_space<vmem>>, vector<16xf32>,
      %gather3A_446 = tpu.vector_load_idx %arg17[%broadcast_in_dim3A_261, %gather3A_409] : memref<3x648xf32, #tpu.memory_space<vmem>>[vector<16xi32>, vector<16xi32>], vector<16xf32>,
      %swap3A_447 = arith.constant 8 : i32
      %swap3A_448 = arith.index_cast %swap3A_447 : i32 to index
      %swap3A_449 = arith.index_cast %select_n3A : i32 to index
      %swap3A_450 = arith.index_cast %mul3A_302 : i32 to index
      %swap3A_451 = tpu.vector_load %arg20[%swap3A_448, %swap3A_449, %swap3A_450] {strides = array<i32>} : memref<9x8x256xf32, #tpu.memory_space<vmem>>, vector<16xf32>,
      tpu.vector_store %arg20[%swap3A_448, %swap3A_449, %swap3A_450], %gather3A_446 {strides = array<i32>} : memref<9x8x256xf32, #tpu.memory_space<vmem>>, vector<16xf32>,
    }
    %scan3A_266 = arith.constant 128 : i32
    "tpu.region"() ({
      %run_scoped3A = tpu.sem_alloc : memref<!tpu.dma_semaphore, #tpu.memory_space<semaphore_mem>>
      %dma_start3A_267 = arith.constant 0 : i32
      %dma_start3A_268 = arith.constant 0 : i32
      %dma_start3A_269 = tpu.memref_slice %arg8[%add3A, %dma_start3A_267, %dma_start3A_268] : memref<32x3x2048xi32, #tpu.memory_space<hbm>> -> memref<1x3x2048xi32, #tpu.memory_space<hbm>>
      %dma_start3A_270 = tpu.memref_squeeze %dma_start3A_269 : memref<1x3x2048xi32, #tpu.memory_space<hbm>> -> memref<3x2048xi32, #tpu.memory_space<hbm>>
      %dma_start3A_271 = arith.constant 0 : i32
      %dma_start3A_272 = arith.constant 0 : i32
      %dma_start3A_273 = tpu.memref_slice %arg8[%add3A, %dma_start3A_271, %dma_start3A_272] : memref<32x3x2048xi32, #tpu.memory_space<hbm>> -> memref<1x3x2048xi32, #tpu.memory_space<hbm>>
      %dma_start3A_274 = tpu.memref_squeeze %dma_start3A_273 : memref<1x3x2048xi32, #tpu.memory_space<hbm>> -> memref<3x2048xi32, #tpu.memory_space<hbm>>
      tpu.enqueue_dma source(%arg18 : memref<3x2048xi32, #tpu.memory_space<vmem>>) target(%dma_start3A_274 : memref<3x2048xi32, #tpu.memory_space<hbm>>) target_semaphore(%run_scoped3A : memref<!tpu.dma_semaphore, #tpu.memory_space<semaphore_mem>>)
      %dma_wait3A_275 = arith.constant 0 : i32
      %dma_wait3A_276 = arith.constant 0 : i32
      %dma_wait3A_277 = tpu.memref_slice %arg8[%add3A, %dma_wait3A_275, %dma_wait3A_276] : memref<32x3x2048xi32, #tpu.memory_space<hbm>> -> memref<1x3x2048xi32, #tpu.memory_space<hbm>>
      %dma_wait3A_278 = tpu.memref_squeeze %dma_wait3A_277 : memref<1x3x2048xi32, #tpu.memory_space<hbm>> -> memref<3x2048xi32, #tpu.memory_space<hbm>>
      %dma_wait3A_279 = arith.constant 0 : i32
      %dma_wait3A_280 = arith.constant 0 : i32
      %dma_wait3A_281 = tpu.memref_slice %arg8[%add3A, %dma_wait3A_279, %dma_wait3A_280] : memref<32x3x2048xi32, #tpu.memory_space<hbm>> -> memref<1x3x2048xi32, #tpu.memory_space<hbm>>
      %dma_wait3A_282 = tpu.memref_squeeze %dma_wait3A_281 : memref<1x3x2048xi32, #tpu.memory_space<hbm>> -> memref<3x2048xi32, #tpu.memory_space<hbm>>
      tpu.wait_dma2 semaphore(%run_scoped3A : memref<!tpu.dma_semaphore, #tpu.memory_space<semaphore_mem>>) src(%arg18 : memref<3x2048xi32, #tpu.memory_space<vmem>>) dst(%dma_wait3A_282 : memref<3x2048xi32, #tpu.memory_space<hbm>>)
      tpu.yield
    }) : () -> ()
    "tpu.region"() ({
      %run_scoped3A = tpu.sem_alloc : memref<!tpu.dma_semaphore, #tpu.memory_space<semaphore_mem>>
      %dma_start3A_267 = arith.constant 0 : i32
      %dma_start3A_268 = arith.constant 0 : i32
      %dma_start3A_269 = arith.constant 0 : i32
      %dma_start3A_270 = tpu.memref_slice %arg9[%add3A, %dma_start3A_267, %dma_start3A_268, %dma_start3A_269] : memref<32x9x8x256xf32, #tpu.memory_space<hbm>> -> memref<1x9x8x256xf32, #tpu.memory_space<hbm>>
      %dma_start3A_271 = tpu.memref_squeeze %dma_start3A_270 : memref<1x9x8x256xf32, #tpu.memory_space<hbm>> -> memref<9x8x256xf32, #tpu.memory_space<hbm>>
      %dma_start3A_272 = arith.constant 0 : i32
      %dma_start3A_273 = arith.constant 0 : i32
      %dma_start3A_274 = arith.constant 0 : i32
      %dma_start3A_275 = tpu.memref_slice %arg9[%add3A, %dma_start3A_272, %dma_start3A_273, %dma_start3A_274] : memref<32x9x8x256xf32, #tpu.memory_space<hbm>> -> memref<1x9x8x256xf32, #tpu.memory_space<hbm>>
      %dma_start3A_276 = tpu.memref_squeeze %dma_start3A_275 : memref<1x9x8x256xf32, #tpu.memory_space<hbm>> -> memref<9x8x256xf32, #tpu.memory_space<hbm>>
      tpu.enqueue_dma source(%arg19 : memref<9x8x256xf32, #tpu.memory_space<vmem>>) target(%dma_start3A_276 : memref<9x8x256xf32, #tpu.memory_space<hbm>>) target_semaphore(%run_scoped3A : memref<!tpu.dma_semaphore, #tpu.memory_space<semaphore_mem>>)
      %dma_wait3A_277 = arith.constant 0 : i32
      %dma_wait3A_278 = arith.constant 0 : i32
      %dma_wait3A_279 = arith.constant 0 : i32
      %dma_wait3A_280 = tpu.memref_slice %arg9[%add3A, %dma_wait3A_277, %dma_wait3A_278, %dma_wait3A_279] : memref<32x9x8x256xf32, #tpu.memory_space<hbm>> -> memref<1x9x8x256xf32, #tpu.memory_space<hbm>>
      %dma_wait3A_281 = tpu.memref_squeeze %dma_wait3A_280 : memref<1x9x8x256xf32, #tpu.memory_space<hbm>> -> memref<9x8x256xf32, #tpu.memory_space<hbm>>
      %dma_wait3A_282 = arith.constant 0 : i32
      %dma_wait3A_283 = arith.constant 0 : i32
      %dma_wait3A_284 = arith.constant 0 : i32
      %dma_wait3A_285 = tpu.memref_slice %arg9[%add3A, %dma_wait3A_282, %dma_wait3A_283, %dma_wait3A_284] : memref<32x9x8x256xf32, #tpu.memory_space<hbm>> -> memref<1x9x8x256xf32, #tpu.memory_space<hbm>>
      %dma_wait3A_286 = tpu.memref_squeeze %dma_wait3A_285 : memref<1x9x8x256xf32, #tpu.memory_space<hbm>> -> memref<9x8x256xf32, #tpu.memory_space<hbm>>
      tpu.wait_dma2 semaphore(%run_scoped3A : memref<!tpu.dma_semaphore, #tpu.memory_space<semaphore_mem>>) src(%arg19 : memref<9x8x256xf32, #tpu.memory_space<vmem>>) dst(%dma_wait3A_286 : memref<9x8x256xf32, #tpu.memory_space<hbm>>)
      tpu.yield
    }) : () -> ()
    "tpu.region"() ({
      %run_scoped3A = tpu.sem_alloc : memref<!tpu.dma_semaphore, #tpu.memory_space<semaphore_mem>>
      %dma_start3A_267 = arith.constant 0 : i32
      %dma_start3A_268 = arith.constant 0 : i32
      %dma_start3A_269 = arith.constant 0 : i32
      %dma_start3A_270 = tpu.memref_slice %arg10[%add3A, %dma_start3A_267, %dma_start3A_268, %dma_start3A_269] : memref<32x9x8x256xf32, #tpu.memory_space<hbm>> -> memref<1x9x8x256xf32, #tpu.memory_space<hbm>>
      %dma_start3A_271 = tpu.memref_squeeze %dma_start3A_270 : memref<1x9x8x256xf32, #tpu.memory_space<hbm>> -> memref<9x8x256xf32, #tpu.memory_space<hbm>>
      %dma_start3A_272 = arith.constant 0 : i32
      %dma_start3A_273 = arith.constant 0 : i32
      %dma_start3A_274 = arith.constant 0 : i32
      %dma_start3A_275 = tpu.memref_slice %arg10[%add3A, %dma_start3A_272, %dma_start3A_273, %dma_start3A_274] : memref<32x9x8x256xf32, #tpu.memory_space<hbm>> -> memref<1x9x8x256xf32, #tpu.memory_space<hbm>>
      %dma_start3A_276 = tpu.memref_squeeze %dma_start3A_275 : memref<1x9x8x256xf32, #tpu.memory_space<hbm>> -> memref<9x8x256xf32, #tpu.memory_space<hbm>>
      tpu.enqueue_dma source(%arg20 : memref<9x8x256xf32, #tpu.memory_space<vmem>>) target(%dma_start3A_276 : memref<9x8x256xf32, #tpu.memory_space<hbm>>) target_semaphore(%run_scoped3A : memref<!tpu.dma_semaphore, #tpu.memory_space<semaphore_mem>>)
      %dma_wait3A_277 = arith.constant 0 : i32
      %dma_wait3A_278 = arith.constant 0 : i32
      %dma_wait3A_279 = arith.constant 0 : i32
      %dma_wait3A_280 = tpu.memref_slice %arg10[%add3A, %dma_wait3A_277, %dma_wait3A_278, %dma_wait3A_279] : memref<32x9x8x256xf32, #tpu.memory_space<hbm>> -> memref<1x9x8x256xf32, #tpu.memory_space<hbm>>
      %dma_wait3A_281 = tpu.memref_squeeze %dma_wait3A_280 : memref<1x9x8x256xf32, #tpu.memory_space<hbm>> -> memref<9x8x256xf32, #tpu.memory_space<hbm>>
      %dma_wait3A_282 = arith.constant 0 : i32
      %dma_wait3A_283 = arith.constant 0 : i32
      %dma_wait3A_284 = arith.constant 0 : i32
      %dma_wait3A_285 = tpu.memref_slice %arg10[%add3A, %dma_wait3A_282, %dma_wait3A_283, %dma_wait3A_284] : memref<32x9x8x256xf32, #tpu.memory_space<hbm>> -> memref<1x9x8x256xf32, #tpu.memory_space<hbm>>
      %dma_wait3A_286 = tpu.memref_squeeze %dma_wait3A_285 : memref<1x9x8x256xf32, #tpu.memory_space<hbm>> -> memref<9x8x256xf32, #tpu.memory_space<hbm>>
      tpu.wait_dma2 semaphore(%run_scoped3A : memref<!tpu.dma_semaphore, #tpu.memory_space<semaphore_mem>>) src(%arg20 : memref<9x8x256xf32, #tpu.memory_space<vmem>>) dst(%dma_wait3A_286 : memref<9x8x256xf32, #tpu.memory_space<hbm>>)
      tpu.yield
    }) : () -> ()
    "tpu.region"() ({
      %run_scoped3A = tpu.sem_alloc : memref<!tpu.dma_semaphore, #tpu.memory_space<semaphore_mem>>
      %dma_start3A_267 = arith.constant 0 : i32
      %dma_start3A_268 = arith.constant 0 : i32
      %dma_start3A_269 = arith.constant 0 : i32
      %dma_start3A_270 = tpu.memref_slice %arg11[%add3A, %dma_start3A_267, %dma_start3A_268, %dma_start3A_269] : memref<32x2x8x256xf32, #tpu.memory_space<hbm>> -> memref<1x2x8x256xf32, #tpu.memory_space<hbm>>
      %dma_start3A_271 = tpu.memref_squeeze %dma_start3A_270 : memref<1x2x8x256xf32, #tpu.memory_space<hbm>> -> memref<2x8x256xf32, #tpu.memory_space<hbm>>
      %dma_start3A_272 = arith.constant 0 : i32
      %dma_start3A_273 = arith.constant 0 : i32
      %dma_start3A_274 = arith.constant 0 : i32
      %dma_start3A_275 = tpu.memref_slice %arg11[%add3A, %dma_start3A_272, %dma_start3A_273, %dma_start3A_274] : memref<32x2x8x256xf32, #tpu.memory_space<hbm>> -> memref<1x2x8x256xf32, #tpu.memory_space<hbm>>
      %dma_start3A_276 = tpu.memref_squeeze %dma_start3A_275 : memref<1x2x8x256xf32, #tpu.memory_space<hbm>> -> memref<2x8x256xf32, #tpu.memory_space<hbm>>
      tpu.enqueue_dma source(%arg21 : memref<2x8x256xf32, #tpu.memory_space<vmem>>) target(%dma_start3A_276 : memref<2x8x256xf32, #tpu.memory_space<hbm>>) target_semaphore(%run_scoped3A : memref<!tpu.dma_semaphore, #tpu.memory_space<semaphore_mem>>)
      %dma_wait3A_277 = arith.constant 0 : i32
      %dma_wait3A_278 = arith.constant 0 : i32
      %dma_wait3A_279 = arith.constant 0 : i32
      %dma_wait3A_280 = tpu.memref_slice %arg11[%add3A, %dma_wait3A_277, %dma_wait3A_278, %dma_wait3A_279] : memref<32x2x8x256xf32, #tpu.memory_space<hbm>> -> memref<1x2x8x256xf32, #tpu.memory_space<hbm>>
      %dma_wait3A_281 = tpu.memref_squeeze %dma_wait3A_280 : memref<1x2x8x256xf32, #tpu.memory_space<hbm>> -> memref<2x8x256xf32, #tpu.memory_space<hbm>>
      %dma_wait3A_282 = arith.constant 0 : i32
      %dma_wait3A_283 = arith.constant 0 : i32
      %dma_wait3A_284 = arith.constant 0 : i32
      %dma_wait3A_285 = tpu.memref_slice %arg11[%add3A, %dma_wait3A_282, %dma_wait3A_283, %dma_wait3A_284] : memref<32x2x8x256xf32, #tpu.memory_space<hbm>> -> memref<1x2x8x256xf32, #tpu.memory_space<hbm>>
      %dma_wait3A_286 = tpu.memref_squeeze %dma_wait3A_285 : memref<1x2x8x256xf32, #tpu.memory_space<hbm>> -> memref<2x8x256xf32, #tpu.memory_space<hbm>>
      tpu.wait_dma2 semaphore(%run_scoped3A : memref<!tpu.dma_semaphore, #tpu.memory_space<semaphore_mem>>) src(%arg21 : memref<2x8x256xf32, #tpu.memory_space<vmem>>) dst(%dma_wait3A_286 : memref<2x8x256xf32, #tpu.memory_space<hbm>>)
      tpu.yield
    }) : () -> ()
    return
  }
}

module attributes {stable_mosaic.version = 14 : i64} {
  func.func @_tcb_body(%arg0: i32, %arg1: i32, %arg2: memref<1x3x2048xi32, #tpu.memory_space<vmem>>, %arg3: memref<1x9x8x256xf32, #tpu.memory_space<vmem>>, %arg4: memref<1x9x8x256xf32, #tpu.memory_space<vmem>>, %arg5: memref<1x2x8x256xf32, #tpu.memory_space<vmem>>, %arg6: memref<1x2048x256xf32, #tpu.memory_space<vmem>>, %arg7: memref<1x3x8x256xf32, #tpu.memory_space<vmem>>, %arg8: memref<1x642x256xf32, #tpu.memory_space<vmem>>, %arg9: memref<642x128xf32, #tpu.memory_space<vmem>>) attributes {dimension_semantics = [#tpu.dimension_semantics<arbitrary>, #tpu.dimension_semantics<arbitrary>], iteration_bounds = array<i64: 8, 4>, scalar_prefetch = 0 : i64, scratch_operands = 1 : i64, tpu.core_type = #tpu.core_type<tc>, window_params = [{transform_indices = @transform_0, window_bounds = array<i64: 1, 3, 2048>}, {transform_indices = @transform_1, window_bounds = array<i64: 1, 9, 8, 256>}, {transform_indices = @transform_2, window_bounds = array<i64: 1, 9, 8, 256>}, {transform_indices = @transform_3, window_bounds = array<i64: 1, 2, 8, 256>}, {transform_indices = @transform_4, window_bounds = array<i64: 1, 2048, 256>}, {transform_indices = @transform_5, window_bounds = array<i64: 1, 3, 8, 256>}, {transform_indices = @transform_6, window_bounds = array<i64: 1, 642, 256>}]} {
    %get3A = arith.constant 0 : index
    %get3A_0 = arith.constant 0 : index
    %get3A_1 = arith.constant 0 : index
    %get3A_2 = arith.constant 0 : index
    %get3A_3 = vector.load %arg4[%get3A, %get3A_0, %get3A_1, %get3A_2] : memref<1x9x8x256xf32, #tpu.memory_space<vmem>>, vector<1x9x8x256xf32>
    %reshape3A = vector.shape_cast %get3A_3 : vector<1x9x8x256xf32> to vector<9x8x256xf32>
    %slice3A = vector.extract_strided_slice %reshape3A {offsets = [0, 0, 0], sizes = [1, 8, 256], strides = [1, 1, 1]} : vector<9x8x256xf32> to vector<1x8x256xf32>
    %squeeze3A = vector.shape_cast %slice3A : vector<1x8x256xf32> to vector<8x256xf32>
    %slice3A_4 = vector.extract_strided_slice %reshape3A {offsets = [1, 0, 0], sizes = [1, 8, 256], strides = [1, 1, 1]} : vector<9x8x256xf32> to vector<1x8x256xf32>
    %squeeze3A_5 = vector.shape_cast %slice3A_4 : vector<1x8x256xf32> to vector<8x256xf32>
    %slice3A_6 = vector.extract_strided_slice %reshape3A {offsets = [2, 0, 0], sizes = [1, 8, 256], strides = [1, 1, 1]} : vector<9x8x256xf32> to vector<1x8x256xf32>
    %squeeze3A_7 = vector.shape_cast %slice3A_6 : vector<1x8x256xf32> to vector<8x256xf32>
    %slice3A_8 = vector.extract_strided_slice %reshape3A {offsets = [3, 0, 0], sizes = [1, 8, 256], strides = [1, 1, 1]} : vector<9x8x256xf32> to vector<1x8x256xf32>
    %squeeze3A_9 = vector.shape_cast %slice3A_8 : vector<1x8x256xf32> to vector<8x256xf32>
    %slice3A_10 = vector.extract_strided_slice %reshape3A {offsets = [4, 0, 0], sizes = [1, 8, 256], strides = [1, 1, 1]} : vector<9x8x256xf32> to vector<1x8x256xf32>
    %squeeze3A_11 = vector.shape_cast %slice3A_10 : vector<1x8x256xf32> to vector<8x256xf32>
    %slice3A_12 = vector.extract_strided_slice %reshape3A {offsets = [5, 0, 0], sizes = [1, 8, 256], strides = [1, 1, 1]} : vector<9x8x256xf32> to vector<1x8x256xf32>
    %squeeze3A_13 = vector.shape_cast %slice3A_12 : vector<1x8x256xf32> to vector<8x256xf32>
    %slice3A_14 = vector.extract_strided_slice %reshape3A {offsets = [6, 0, 0], sizes = [1, 8, 256], strides = [1, 1, 1]} : vector<9x8x256xf32> to vector<1x8x256xf32>
    %squeeze3A_15 = vector.shape_cast %slice3A_14 : vector<1x8x256xf32> to vector<8x256xf32>
    %slice3A_16 = vector.extract_strided_slice %reshape3A {offsets = [7, 0, 0], sizes = [1, 8, 256], strides = [1, 1, 1]} : vector<9x8x256xf32> to vector<1x8x256xf32>
    %squeeze3A_17 = vector.shape_cast %slice3A_16 : vector<1x8x256xf32> to vector<8x256xf32>
    %slice3A_18 = vector.extract_strided_slice %reshape3A {offsets = [8, 0, 0], sizes = [1, 8, 256], strides = [1, 1, 1]} : vector<9x8x256xf32> to vector<1x8x256xf32>
    %squeeze3A_19 = vector.shape_cast %slice3A_18 : vector<1x8x256xf32> to vector<8x256xf32>
    %get3A_20 = arith.constant 0 : index
    %get3A_21 = arith.constant 0 : index
    %get3A_22 = arith.constant 0 : index
    %get3A_23 = arith.constant 0 : index
    %get3A_24 = vector.load %arg5[%get3A_20, %get3A_21, %get3A_22, %get3A_23] : memref<1x2x8x256xf32, #tpu.memory_space<vmem>>, vector<1x2x8x256xf32>
    %reshape3A_25 = vector.shape_cast %get3A_24 : vector<1x2x8x256xf32> to vector<2x8x256xf32>
    %slice3A_26 = vector.extract_strided_slice %reshape3A_25 {offsets = [0, 0, 0], sizes = [1, 8, 256], strides = [1, 1, 1]} : vector<2x8x256xf32> to vector<1x8x256xf32>
    %squeeze3A_27 = vector.shape_cast %slice3A_26 : vector<1x8x256xf32> to vector<8x256xf32>
    %slice3A_28 = vector.extract_strided_slice %reshape3A_25 {offsets = [1, 0, 0], sizes = [1, 8, 256], strides = [1, 1, 1]} : vector<2x8x256xf32> to vector<1x8x256xf32>
    %squeeze3A_29 = vector.shape_cast %slice3A_28 : vector<1x8x256xf32> to vector<8x256xf32>
    %sub3A = arith.constant 5.000000e-01 : f32
    %sub3A_30 = vector.broadcast %sub3A : f32 to vector<8x256xf32>
    %sub3A_31 = arith.subf %squeeze3A_27, %sub3A_30 : vector<8x256xf32>
    %mul3A = arith.constant 6.28318548 : f32
    %mul3A_32 = vector.broadcast %mul3A : f32 to vector<8x256xf32>
    %mul3A_33 = arith.mulf %mul3A_32, %sub3A_31 : vector<8x256xf32>
    %sub3A_34 = arith.constant 5.000000e-01 : f32
    %sub3A_35 = vector.broadcast %sub3A_34 : f32 to vector<8x256xf32>
    %sub3A_36 = arith.subf %squeeze3A_29, %sub3A_35 : vector<8x256xf32>
    %mul3A_37 = arith.constant 3.14159274 : f32
    %mul3A_38 = vector.broadcast %mul3A_37 : f32 to vector<8x256xf32>
    %mul3A_39 = arith.mulf %mul3A_38, %sub3A_36 : vector<8x256xf32>
    %cos3A = math.cos %mul3A_39 : vector<8x256xf32>
    %cos3A_40 = math.cos %mul3A_33 : vector<8x256xf32>
    %mul3A_41 = arith.mulf %cos3A, %cos3A_40 : vector<8x256xf32>
    %sin3A = math.sin %mul3A_33 : vector<8x256xf32>
    %mul3A_42 = arith.mulf %cos3A, %sin3A : vector<8x256xf32>
    %sin3A_43 = math.sin %mul3A_39 : vector<8x256xf32>
    %sub3A_44 = arith.subf %squeeze3A_9, %squeeze3A : vector<8x256xf32>
    %sub3A_45 = arith.subf %squeeze3A_11, %squeeze3A_5 : vector<8x256xf32>
    %sub3A_46 = arith.subf %squeeze3A_13, %squeeze3A_7 : vector<8x256xf32>
    %sub3A_47 = arith.subf %squeeze3A_15, %squeeze3A : vector<8x256xf32>
    %sub3A_48 = arith.subf %squeeze3A_17, %squeeze3A_5 : vector<8x256xf32>
    %sub3A_49 = arith.subf %squeeze3A_19, %squeeze3A_7 : vector<8x256xf32>
    %sub3A_50 = arith.subf %squeeze3A_15, %squeeze3A_9 : vector<8x256xf32>
    %sub3A_51 = arith.subf %squeeze3A_17, %squeeze3A_11 : vector<8x256xf32>
    %sub3A_52 = arith.subf %squeeze3A_19, %squeeze3A_13 : vector<8x256xf32>
    %sub3A_53 = arith.subf %mul3A_41, %squeeze3A : vector<8x256xf32>
    %sub3A_54 = arith.subf %mul3A_42, %squeeze3A_5 : vector<8x256xf32>
    %sub3A_55 = arith.subf %sin3A_43, %squeeze3A_7 : vector<8x256xf32>
    %sub3A_56 = arith.subf %mul3A_41, %squeeze3A_9 : vector<8x256xf32>
    %sub3A_57 = arith.subf %mul3A_42, %squeeze3A_11 : vector<8x256xf32>
    %sub3A_58 = arith.subf %sin3A_43, %squeeze3A_13 : vector<8x256xf32>
    %mul3A_59 = arith.mulf %sub3A_45, %sub3A_49 : vector<8x256xf32>
    %mul3A_60 = arith.mulf %sub3A_46, %sub3A_48 : vector<8x256xf32>
    %sub3A_61 = arith.subf %mul3A_59, %mul3A_60 : vector<8x256xf32>
    %mul3A_62 = arith.mulf %sub3A_46, %sub3A_47 : vector<8x256xf32>
    %mul3A_63 = arith.mulf %sub3A_44, %sub3A_49 : vector<8x256xf32>
    %sub3A_64 = arith.subf %mul3A_62, %mul3A_63 : vector<8x256xf32>
    %mul3A_65 = arith.mulf %sub3A_44, %sub3A_48 : vector<8x256xf32>
    %mul3A_66 = arith.mulf %sub3A_45, %sub3A_47 : vector<8x256xf32>
    %sub3A_67 = arith.subf %mul3A_65, %mul3A_66 : vector<8x256xf32>
    %mul3A_68 = arith.mulf %sub3A_61, %sub3A_61 : vector<8x256xf32>
    %mul3A_69 = arith.mulf %sub3A_64, %sub3A_64 : vector<8x256xf32>
    %add3A = arith.addf %mul3A_68, %mul3A_69 : vector<8x256xf32>
    %mul3A_70 = arith.mulf %sub3A_67, %sub3A_67 : vector<8x256xf32>
    %add3A_71 = arith.addf %add3A, %mul3A_70 : vector<8x256xf32>
    %sqrt3A = math.sqrt %add3A_71 : vector<8x256xf32>
    %mul3A_72 = arith.mulf %sub3A_45, %sub3A_55 : vector<8x256xf32>
    %mul3A_73 = arith.mulf %sub3A_46, %sub3A_54 : vector<8x256xf32>
    %sub3A_74 = arith.subf %mul3A_72, %mul3A_73 : vector<8x256xf32>
    %mul3A_75 = arith.mulf %sub3A_46, %sub3A_53 : vector<8x256xf32>
    %mul3A_76 = arith.mulf %sub3A_44, %sub3A_55 : vector<8x256xf32>
    %sub3A_77 = arith.subf %mul3A_75, %mul3A_76 : vector<8x256xf32>
    %mul3A_78 = arith.mulf %sub3A_44, %sub3A_54 : vector<8x256xf32>
    %mul3A_79 = arith.mulf %sub3A_45, %sub3A_53 : vector<8x256xf32>
    %sub3A_80 = arith.subf %mul3A_78, %mul3A_79 : vector<8x256xf32>
    %mul3A_81 = arith.mulf %sub3A_74, %sub3A_74 : vector<8x256xf32>
    %mul3A_82 = arith.mulf %sub3A_77, %sub3A_77 : vector<8x256xf32>
    %add3A_83 = arith.addf %mul3A_81, %mul3A_82 : vector<8x256xf32>
    %mul3A_84 = arith.mulf %sub3A_80, %sub3A_80 : vector<8x256xf32>
    %add3A_85 = arith.addf %add3A_83, %mul3A_84 : vector<8x256xf32>
    %sqrt3A_86 = math.sqrt %add3A_85 : vector<8x256xf32>
    %mul3A_87 = arith.mulf %sub3A_48, %sub3A_55 : vector<8x256xf32>
    %mul3A_88 = arith.mulf %sub3A_49, %sub3A_54 : vector<8x256xf32>
    %sub3A_89 = arith.subf %mul3A_87, %mul3A_88 : vector<8x256xf32>
    %mul3A_90 = arith.mulf %sub3A_49, %sub3A_53 : vector<8x256xf32>
    %mul3A_91 = arith.mulf %sub3A_47, %sub3A_55 : vector<8x256xf32>
    %sub3A_92 = arith.subf %mul3A_90, %mul3A_91 : vector<8x256xf32>
    %mul3A_93 = arith.mulf %sub3A_47, %sub3A_54 : vector<8x256xf32>
    %mul3A_94 = arith.mulf %sub3A_48, %sub3A_53 : vector<8x256xf32>
    %sub3A_95 = arith.subf %mul3A_93, %mul3A_94 : vector<8x256xf32>
    %mul3A_96 = arith.mulf %sub3A_89, %sub3A_89 : vector<8x256xf32>
    %mul3A_97 = arith.mulf %sub3A_92, %sub3A_92 : vector<8x256xf32>
    %add3A_98 = arith.addf %mul3A_96, %mul3A_97 : vector<8x256xf32>
    %mul3A_99 = arith.mulf %sub3A_95, %sub3A_95 : vector<8x256xf32>
    %add3A_100 = arith.addf %add3A_98, %mul3A_99 : vector<8x256xf32>
    %sqrt3A_101 = math.sqrt %add3A_100 : vector<8x256xf32>
    %mul3A_102 = arith.mulf %sub3A_51, %sub3A_58 : vector<8x256xf32>
    %mul3A_103 = arith.mulf %sub3A_52, %sub3A_57 : vector<8x256xf32>
    %sub3A_104 = arith.subf %mul3A_102, %mul3A_103 : vector<8x256xf32>
    %mul3A_105 = arith.mulf %sub3A_52, %sub3A_56 : vector<8x256xf32>
    %mul3A_106 = arith.mulf %sub3A_50, %sub3A_58 : vector<8x256xf32>
    %sub3A_107 = arith.subf %mul3A_105, %mul3A_106 : vector<8x256xf32>
    %mul3A_108 = arith.mulf %sub3A_50, %sub3A_57 : vector<8x256xf32>
    %mul3A_109 = arith.mulf %sub3A_51, %sub3A_56 : vector<8x256xf32>
    %sub3A_110 = arith.subf %mul3A_108, %mul3A_109 : vector<8x256xf32>
    %mul3A_111 = arith.mulf %sub3A_104, %sub3A_104 : vector<8x256xf32>
    %mul3A_112 = arith.mulf %sub3A_107, %sub3A_107 : vector<8x256xf32>
    %add3A_113 = arith.addf %mul3A_111, %mul3A_112 : vector<8x256xf32>
    %mul3A_114 = arith.mulf %sub3A_110, %sub3A_110 : vector<8x256xf32>
    %add3A_115 = arith.addf %add3A_113, %mul3A_114 : vector<8x256xf32>
    %sqrt3A_116 = math.sqrt %add3A_115 : vector<8x256xf32>
    %div3A = arith.divf %sqrt3A_86, %sqrt3A : vector<8x256xf32>
    %div3A_117 = arith.divf %sqrt3A_101, %sqrt3A : vector<8x256xf32>
    %div3A_118 = arith.divf %sqrt3A_116, %sqrt3A : vector<8x256xf32>
    %abs3A = math.absf %div3A_118 : vector<8x256xf32>
    %abs3A_119 = math.absf %div3A_117 : vector<8x256xf32>
    %add3A_120 = arith.addf %abs3A, %abs3A_119 : vector<8x256xf32>
    %abs3A_121 = math.absf %div3A : vector<8x256xf32>
    %add3A_122 = arith.addf %add3A_120, %abs3A_121 : vector<8x256xf32>
    %max3A = arith.constant 9.99999996E-13 : f32
    %max3A_123 = vector.broadcast %max3A : f32 to vector<8x256xf32>
    %max3A_124 = arith.maximumf %add3A_122, %max3A_123 : vector<8x256xf32>
    %div3A_125 = arith.divf %div3A_118, %max3A_124 : vector<8x256xf32>
    %div3A_126 = arith.divf %div3A_117, %max3A_124 : vector<8x256xf32>
    %div3A_127 = arith.divf %div3A, %max3A_124 : vector<8x256xf32>
    %get3A_128 = arith.constant 0 : index
    %get3A_129 = arith.constant 0 : index
    %get3A_130 = arith.constant 0 : index
    %get3A_131 = arith.constant 0 : index
    %get3A_132 = vector.load %arg3[%get3A_128, %get3A_129, %get3A_130, %get3A_131] : memref<1x9x8x256xf32, #tpu.memory_space<vmem>>, vector<1x9x8x256xf32>
    %reshape3A_133 = vector.shape_cast %get3A_132 : vector<1x9x8x256xf32> to vector<9x8x256xf32>
    %slice3A_134 = vector.extract_strided_slice %reshape3A_133 {offsets = [0, 0, 0], sizes = [1, 8, 256], strides = [1, 1, 1]} : vector<9x8x256xf32> to vector<1x8x256xf32>
    %squeeze3A_135 = vector.shape_cast %slice3A_134 : vector<1x8x256xf32> to vector<8x256xf32>
    %mul3A_136 = arith.mulf %div3A_125, %squeeze3A_135 : vector<8x256xf32>
    %slice3A_137 = vector.extract_strided_slice %reshape3A_133 {offsets = [3, 0, 0], sizes = [1, 8, 256], strides = [1, 1, 1]} : vector<9x8x256xf32> to vector<1x8x256xf32>
    %squeeze3A_138 = vector.shape_cast %slice3A_137 : vector<1x8x256xf32> to vector<8x256xf32>
    %mul3A_139 = arith.mulf %div3A_126, %squeeze3A_138 : vector<8x256xf32>
    %add3A_140 = arith.addf %mul3A_136, %mul3A_139 : vector<8x256xf32>
    %slice3A_141 = vector.extract_strided_slice %reshape3A_133 {offsets = [6, 0, 0], sizes = [1, 8, 256], strides = [1, 1, 1]} : vector<9x8x256xf32> to vector<1x8x256xf32>
    %squeeze3A_142 = vector.shape_cast %slice3A_141 : vector<1x8x256xf32> to vector<8x256xf32>
    %mul3A_143 = arith.mulf %div3A_127, %squeeze3A_142 : vector<8x256xf32>
    %add3A_144 = arith.addf %add3A_140, %mul3A_143 : vector<8x256xf32>
    %slice3A_145 = vector.extract_strided_slice %reshape3A_133 {offsets = [1, 0, 0], sizes = [1, 8, 256], strides = [1, 1, 1]} : vector<9x8x256xf32> to vector<1x8x256xf32>
    %squeeze3A_146 = vector.shape_cast %slice3A_145 : vector<1x8x256xf32> to vector<8x256xf32>
    %mul3A_147 = arith.mulf %div3A_125, %squeeze3A_146 : vector<8x256xf32>
    %slice3A_148 = vector.extract_strided_slice %reshape3A_133 {offsets = [4, 0, 0], sizes = [1, 8, 256], strides = [1, 1, 1]} : vector<9x8x256xf32> to vector<1x8x256xf32>
    %squeeze3A_149 = vector.shape_cast %slice3A_148 : vector<1x8x256xf32> to vector<8x256xf32>
    %mul3A_150 = arith.mulf %div3A_126, %squeeze3A_149 : vector<8x256xf32>
    %add3A_151 = arith.addf %mul3A_147, %mul3A_150 : vector<8x256xf32>
    %slice3A_152 = vector.extract_strided_slice %reshape3A_133 {offsets = [7, 0, 0], sizes = [1, 8, 256], strides = [1, 1, 1]} : vector<9x8x256xf32> to vector<1x8x256xf32>
    %squeeze3A_153 = vector.shape_cast %slice3A_152 : vector<1x8x256xf32> to vector<8x256xf32>
    %mul3A_154 = arith.mulf %div3A_127, %squeeze3A_153 : vector<8x256xf32>
    %add3A_155 = arith.addf %add3A_151, %mul3A_154 : vector<8x256xf32>
    %slice3A_156 = vector.extract_strided_slice %reshape3A_133 {offsets = [2, 0, 0], sizes = [1, 8, 256], strides = [1, 1, 1]} : vector<9x8x256xf32> to vector<1x8x256xf32>
    %squeeze3A_157 = vector.shape_cast %slice3A_156 : vector<1x8x256xf32> to vector<8x256xf32>
    %mul3A_158 = arith.mulf %div3A_125, %squeeze3A_157 : vector<8x256xf32>
    %slice3A_159 = vector.extract_strided_slice %reshape3A_133 {offsets = [5, 0, 0], sizes = [1, 8, 256], strides = [1, 1, 1]} : vector<9x8x256xf32> to vector<1x8x256xf32>
    %squeeze3A_160 = vector.shape_cast %slice3A_159 : vector<1x8x256xf32> to vector<8x256xf32>
    %mul3A_161 = arith.mulf %div3A_126, %squeeze3A_160 : vector<8x256xf32>
    %add3A_162 = arith.addf %mul3A_158, %mul3A_161 : vector<8x256xf32>
    %slice3A_163 = vector.extract_strided_slice %reshape3A_133 {offsets = [8, 0, 0], sizes = [1, 8, 256], strides = [1, 1, 1]} : vector<9x8x256xf32> to vector<1x8x256xf32>
    %squeeze3A_164 = vector.shape_cast %slice3A_163 : vector<1x8x256xf32> to vector<8x256xf32>
    %mul3A_165 = arith.mulf %div3A_127, %squeeze3A_164 : vector<8x256xf32>
    %add3A_166 = arith.addf %add3A_162, %mul3A_165 : vector<8x256xf32>
    %broadcast_in_dim3A = vector.shape_cast %add3A_144 : vector<8x256xf32> to vector<1x8x256xf32>
    %broadcast_in_dim3A_167 = vector.shape_cast %add3A_155 : vector<8x256xf32> to vector<1x8x256xf32>
    %broadcast_in_dim3A_168 = vector.shape_cast %add3A_166 : vector<8x256xf32> to vector<1x8x256xf32>
    %concatenate3A = tpu.concatenate %broadcast_in_dim3A, %broadcast_in_dim3A_167, %broadcast_in_dim3A_168 in 0 : vector<1x8x256xf32>, vector<1x8x256xf32>, vector<1x8x256xf32> -> vector<3x8x256xf32>
    %broadcast_in_dim3A_169 = vector.shape_cast %concatenate3A : vector<3x8x256xf32> to vector<1x3x8x256xf32>
    %swap3A = arith.constant 0 : index
    %swap3A_170 = arith.constant 0 : index
    %swap3A_171 = arith.constant 0 : index
    %swap3A_172 = arith.constant 0 : index
    %swap3A_173 = vector.load %arg7[%swap3A, %swap3A_170, %swap3A_171, %swap3A_172] : memref<1x3x8x256xf32, #tpu.memory_space<vmem>>, vector<1x3x8x256xf32>
    tpu.vector_store %arg7[%swap3A, %swap3A_170, %swap3A_171, %swap3A_172], %broadcast_in_dim3A_169 {strides = array<i32>} : memref<1x3x8x256xf32, #tpu.memory_space<vmem>>, vector<1x3x8x256xf32>,
    %get3A_174 = arith.constant 0 : index
    %get3A_175 = arith.constant 0 : index
    %get3A_176 = arith.constant 0 : index
    %get3A_177 = vector.load %arg2[%get3A_174, %get3A_175, %get3A_176] : memref<1x3x2048xi32, #tpu.memory_space<vmem>>, vector<1x3x2048xi32>
    %reshape3A_178 = vector.shape_cast %get3A_177 : vector<1x3x2048xi32> to vector<3x2048xi32>
    %iota3A = tpu.iota {dimensions = array<i32: 0>} : vector<648x2048xi32>
    %slice3A_179 = vector.extract_strided_slice %reshape3A_178 {offsets = [0, 0], sizes = [1, 2048], strides = [1, 1]} : vector<3x2048xi32> to vector<1x2048xi32>
    %eq3A = vector.broadcast %slice3A_179 : vector<1x2048xi32> to vector<648x2048xi32>
    %eq3A_180 = arith.cmpi eq, %iota3A, %eq3A : vector<648x2048xi32>
    %convert_element_type3A = arith.extui %eq3A_180 : vector<648x2048xi1> to vector<648x2048xi32>
    %convert_element_type3A_181 = arith.sitofp %convert_element_type3A : vector<648x2048xi32> to vector<648x2048xf32>
    %slice3A_182 = vector.extract_strided_slice %reshape3A_178 {offsets = [1, 0], sizes = [1, 2048], strides = [1, 1]} : vector<3x2048xi32> to vector<1x2048xi32>
    %eq3A_183 = vector.broadcast %slice3A_182 : vector<1x2048xi32> to vector<648x2048xi32>
    %eq3A_184 = arith.cmpi eq, %iota3A, %eq3A_183 : vector<648x2048xi32>
    %convert_element_type3A_185 = arith.extui %eq3A_184 : vector<648x2048xi1> to vector<648x2048xi32>
    %convert_element_type3A_186 = arith.sitofp %convert_element_type3A_185 : vector<648x2048xi32> to vector<648x2048xf32>
    %add3A_187 = arith.addf %convert_element_type3A_181, %convert_element_type3A_186 : vector<648x2048xf32>
    %slice3A_188 = vector.extract_strided_slice %reshape3A_178 {offsets = [2, 0], sizes = [1, 2048], strides = [1, 1]} : vector<3x2048xi32> to vector<1x2048xi32>
    %eq3A_189 = vector.broadcast %slice3A_188 : vector<1x2048xi32> to vector<648x2048xi32>
    %eq3A_190 = arith.cmpi eq, %iota3A, %eq3A_189 : vector<648x2048xi32>
    %convert_element_type3A_191 = arith.extui %eq3A_190 : vector<648x2048xi1> to vector<648x2048xi32>
    %convert_element_type3A_192 = arith.sitofp %convert_element_type3A_191 : vector<648x2048xi32> to vector<648x2048xf32>
    %add3A_193 = arith.addf %add3A_187, %convert_element_type3A_192 : vector<648x2048xf32>
    %convert_element_type3A_194 = arith.truncf %add3A_193 : vector<648x2048xf32> to vector<648x2048xbf16>
    %get3A_195 = arith.constant 0 : index
    %get3A_196 = arith.constant 0 : index
    %get3A_197 = arith.constant 0 : index
    %get3A_198 = vector.load %arg6[%get3A_195, %get3A_196, %get3A_197] : memref<1x2048x256xf32, #tpu.memory_space<vmem>>, vector<1x2048x256xf32>
    %reshape3A_199 = vector.shape_cast %get3A_198 : vector<1x2048x256xf32> to vector<2048x256xf32>
    %convert_element_type3A_200 = arith.truncf %reshape3A_199 : vector<2048x256xf32> to vector<2048x256xbf16>
    %dot_general3A = arith.constant dense<0.000000e+00> : vector<648x256xf32>
    %dot_general3A_201 = tpu.matmul %convert_element_type3A_194, %convert_element_type3A_200, %dot_general3A {dimension_numbers = #tpu.dot_dimension_numbers<[1], [0], [0], [1], [0, 0, 1, 1], [], []>, transpose_lhs_hint = false} : vector<648x2048xbf16>, vector<2048x256xbf16>, vector<648x256xf32> -> vector<648x256xf32>
    %broadcast_in_dim3A_202 = arith.constant 1.000000e+00 : bf16
    %broadcast_in_dim3A_203 = vector.broadcast %broadcast_in_dim3A_202 : bf16 to vector<2048x8xbf16>
    %dot_general3A_204 = arith.constant dense<0.000000e+00> : vector<648x8xf32>
    %dot_general3A_205 = tpu.matmul %convert_element_type3A_194, %broadcast_in_dim3A_203, %dot_general3A_204 {dimension_numbers = #tpu.dot_dimension_numbers<[1], [0], [0], [1], [0, 0, 1, 1], [], []>, transpose_lhs_hint = false} : vector<648x2048xbf16>, vector<2048x8xbf16>, vector<648x8xf32> -> vector<648x8xf32>
    %slice3A_206 = vector.extract_strided_slice %dot_general3A_205 {offsets = [0, 0], sizes = [648, 1], strides = [1, 1]} : vector<648x8xf32> to vector<648x1xf32>
    %broadcast_in_dim3A_207 = vector.shape_cast %slice3A_206 : vector<648x1xf32> to vector<648x1xf32>
    %broadcast_in_dim3A_208 = vector.broadcast %broadcast_in_dim3A_207 : vector<648x1xf32> to vector<648x128xf32>
    %slice3A_209 = vector.extract_strided_slice %dot_general3A_201 {offsets = [0, 0], sizes = [642, 256], strides = [1, 1]} : vector<648x256xf32> to vector<642x256xf32>
    %slice3A_210 = vector.extract_strided_slice %broadcast_in_dim3A_208 {offsets = [0, 0], sizes = [642, 128], strides = [1, 1]} : vector<648x128xf32> to vector<642x128xf32>
    %eq3A_211 = arith.constant 0 : i32
    %eq3A_212 = arith.cmpi eq, %arg1, %eq3A_211 : i32
    %convert_element_type3A_213 = arith.extui %eq3A_212 : i1 to i32
    %cond3A = arith.constant 0 : i32
    %cond3A_214 = arith.cmpi ne, %convert_element_type3A_213, %cond3A : i32
    scf.if %cond3A_214 {
      %broadcast_in_dim3A_224 = vector.shape_cast %slice3A_209 : vector<642x256xf32> to vector<1x642x256xf32>
      %swap3A_225 = arith.constant 0 : index
      %swap3A_226 = arith.constant 0 : index
      %swap3A_227 = arith.constant 0 : index
      %swap3A_228 = vector.load %arg8[%swap3A_225, %swap3A_226, %swap3A_227] : memref<1x642x256xf32, #tpu.memory_space<vmem>>, vector<1x642x256xf32>
      tpu.vector_store %arg8[%swap3A_225, %swap3A_226, %swap3A_227], %broadcast_in_dim3A_224 {strides = array<i32>} : memref<1x642x256xf32, #tpu.memory_space<vmem>>, vector<1x642x256xf32>,
      %swap3A_229 = arith.constant 0 : index
      %swap3A_230 = arith.constant 0 : index
      %swap3A_231 = vector.load %arg9[%swap3A_229, %swap3A_230] : memref<642x128xf32, #tpu.memory_space<vmem>>, vector<642x128xf32>
      tpu.vector_store %arg9[%swap3A_229, %swap3A_230], %slice3A_210 {strides = array<i32>} : memref<642x128xf32, #tpu.memory_space<vmem>>, vector<642x128xf32>,
    } else {
    }
    %ne3A = arith.constant 0 : i32
    %ne3A_215 = arith.cmpi ne, %arg1, %ne3A : i32
    %convert_element_type3A_216 = arith.extui %ne3A_215 : i1 to i32
    %cond3A_217 = arith.constant 0 : i32
    %cond3A_218 = arith.cmpi ne, %convert_element_type3A_216, %cond3A_217 : i32
    scf.if %cond3A_218 {
      %get3A_224 = arith.constant 0 : index
      %get3A_225 = arith.constant 0 : index
      %get3A_226 = arith.constant 0 : index
      %get3A_227 = vector.load %arg8[%get3A_224, %get3A_225, %get3A_226] : memref<1x642x256xf32, #tpu.memory_space<vmem>>, vector<1x642x256xf32>
      %broadcast_in_dim3A_228 = vector.shape_cast %slice3A_209 : vector<642x256xf32> to vector<1x642x256xf32>
      %add3A_229 = arith.addf %get3A_227, %broadcast_in_dim3A_228 : vector<1x642x256xf32>
      %swap3A_230 = arith.constant 0 : index
      %swap3A_231 = arith.constant 0 : index
      %swap3A_232 = arith.constant 0 : index
      %swap3A_233 = vector.load %arg8[%swap3A_230, %swap3A_231, %swap3A_232] : memref<1x642x256xf32, #tpu.memory_space<vmem>>, vector<1x642x256xf32>
      tpu.vector_store %arg8[%swap3A_230, %swap3A_231, %swap3A_232], %add3A_229 {strides = array<i32>} : memref<1x642x256xf32, #tpu.memory_space<vmem>>, vector<1x642x256xf32>,
      %get3A_234 = arith.constant 0 : index
      %get3A_235 = arith.constant 0 : index
      %get3A_236 = vector.load %arg9[%get3A_234, %get3A_235] : memref<642x128xf32, #tpu.memory_space<vmem>>, vector<642x128xf32>
      %add3A_237 = arith.addf %get3A_236, %slice3A_210 : vector<642x128xf32>
      %swap3A_238 = arith.constant 0 : index
      %swap3A_239 = arith.constant 0 : index
      %swap3A_240 = vector.load %arg9[%swap3A_238, %swap3A_239] : memref<642x128xf32, #tpu.memory_space<vmem>>, vector<642x128xf32>
      tpu.vector_store %arg9[%swap3A_238, %swap3A_239], %add3A_237 {strides = array<i32>} : memref<642x128xf32, #tpu.memory_space<vmem>>, vector<642x128xf32>,
    } else {
    }
    %eq3A_219 = arith.constant 3 : i32
    %eq3A_220 = arith.cmpi eq, %arg1, %eq3A_219 : i32
    %convert_element_type3A_221 = arith.extui %eq3A_220 : i1 to i32
    %cond3A_222 = arith.constant 0 : i32
    %cond3A_223 = arith.cmpi ne, %convert_element_type3A_221, %cond3A_222 : i32
    scf.if %cond3A_223 {
      %get3A_224 = arith.constant 0 : index
      %get3A_225 = arith.constant 0 : index
      %get3A_226 = vector.load %arg9[%get3A_224, %get3A_225] : memref<642x128xf32, #tpu.memory_space<vmem>>, vector<642x1xf32>
      %max3A_227 = arith.constant 1.000000e+00 : f32
      %max3A_228 = vector.broadcast %max3A_227 : f32 to vector<642x1xf32>
      %max3A_229 = arith.maximumf %get3A_226, %max3A_228 : vector<642x1xf32>
      %get3A_230 = arith.constant 0 : index
      %get3A_231 = arith.constant 0 : index
      %get3A_232 = arith.constant 0 : index
      %get3A_233 = vector.load %arg8[%get3A_230, %get3A_231, %get3A_232] : memref<1x642x256xf32, #tpu.memory_space<vmem>>, vector<1x642x256xf32>
      %broadcast_in_dim3A_234 = vector.shape_cast %max3A_229 : vector<642x1xf32> to vector<1x642x1xf32>
      %div3A_235 = vector.broadcast %broadcast_in_dim3A_234 : vector<1x642x1xf32> to vector<1x642x256xf32>
      %div3A_236 = arith.divf %get3A_233, %div3A_235 : vector<1x642x256xf32>
      %swap3A_237 = arith.constant 0 : index
      %swap3A_238 = arith.constant 0 : index
      %swap3A_239 = arith.constant 0 : index
      %swap3A_240 = vector.load %arg8[%swap3A_237, %swap3A_238, %swap3A_239] : memref<1x642x256xf32, #tpu.memory_space<vmem>>, vector<1x642x256xf32>
      tpu.vector_store %arg8[%swap3A_237, %swap3A_238, %swap3A_239], %div3A_236 {strides = array<i32>} : memref<1x642x256xf32, #tpu.memory_space<vmem>>, vector<1x642x256xf32>,
    } else {
    }
    return
  }
  func.func @transform_0(%arg0: i32, %arg1: i32) -> (i32, i32, i32) {
    %mul3A = arith.constant 4 : i32
    %mul3A_0 = arith.muli %arg0, %mul3A : i32
    %add3A = arith.addi %mul3A_0, %arg1 : i32
    %c0_i32 = arith.constant 0 : i32
    %c0_i32_1 = arith.constant 0 : i32
    %c0_i32_2 = arith.constant 0 : i32
    return %add3A, %c0_i32, %c0_i32_1 : i32, i32, i32
  }
  func.func @transform_1(%arg0: i32, %arg1: i32) -> (i32, i32, i32, i32) {
    %mul3A = arith.constant 4 : i32
    %mul3A_0 = arith.muli %arg0, %mul3A : i32
    %add3A = arith.addi %mul3A_0, %arg1 : i32
    %c0_i32 = arith.constant 0 : i32
    %c0_i32_1 = arith.constant 0 : i32
    %c0_i32_2 = arith.constant 0 : i32
    %c0_i32_3 = arith.constant 0 : i32
    return %add3A, %c0_i32, %c0_i32_1, %c0_i32_2 : i32, i32, i32, i32
  }
  func.func @transform_2(%arg0: i32, %arg1: i32) -> (i32, i32, i32, i32) {
    %mul3A = arith.constant 4 : i32
    %mul3A_0 = arith.muli %arg0, %mul3A : i32
    %add3A = arith.addi %mul3A_0, %arg1 : i32
    %c0_i32 = arith.constant 0 : i32
    %c0_i32_1 = arith.constant 0 : i32
    %c0_i32_2 = arith.constant 0 : i32
    %c0_i32_3 = arith.constant 0 : i32
    return %add3A, %c0_i32, %c0_i32_1, %c0_i32_2 : i32, i32, i32, i32
  }
  func.func @transform_3(%arg0: i32, %arg1: i32) -> (i32, i32, i32, i32) {
    %mul3A = arith.constant 4 : i32
    %mul3A_0 = arith.muli %arg0, %mul3A : i32
    %add3A = arith.addi %mul3A_0, %arg1 : i32
    %c0_i32 = arith.constant 0 : i32
    %c0_i32_1 = arith.constant 0 : i32
    %c0_i32_2 = arith.constant 0 : i32
    %c0_i32_3 = arith.constant 0 : i32
    return %add3A, %c0_i32, %c0_i32_1, %c0_i32_2 : i32, i32, i32, i32
  }
  func.func @transform_4(%arg0: i32, %arg1: i32) -> (i32, i32, i32) {
    %c0_i32 = arith.constant 0 : i32
    %c0_i32_0 = arith.constant 0 : i32
    return %arg0, %arg1, %c0_i32 : i32, i32, i32
  }
  func.func @transform_5(%arg0: i32, %arg1: i32) -> (i32, i32, i32, i32) {
    %mul3A = arith.constant 4 : i32
    %mul3A_0 = arith.muli %arg0, %mul3A : i32
    %add3A = arith.addi %mul3A_0, %arg1 : i32
    %c0_i32 = arith.constant 0 : i32
    %c0_i32_1 = arith.constant 0 : i32
    %c0_i32_2 = arith.constant 0 : i32
    %c0_i32_3 = arith.constant 0 : i32
    return %add3A, %c0_i32, %c0_i32_1, %c0_i32_2 : i32, i32, i32, i32
  }
  func.func @transform_6(%arg0: i32, %arg1: i32) -> (i32, i32, i32) {
    %c0_i32 = arith.constant 0 : i32
    %c0_i32_0 = arith.constant 0 : i32
    %c0_i32_1 = arith.constant 0 : i32
    return %arg0, %c0_i32, %c0_i32_0 : i32, i32, i32
  }
}

module attributes {stable_mosaic.version = 14 : i64} {
  func.func @_tca_body(%arg0: i32, %arg1: memref<2048x2xf32, #tpu.memory_space<vmem>>, %arg2: memref<642x2xf32, #tpu.memory_space<vmem>>, %arg3: memref<1280x3xi32, #tpu.memory_space<vmem>>, %arg4: memref<642x3xf32, #tpu.memory_space<vmem>>, %arg5: memref<1x2x2048xf32, #tpu.memory_space<vmem>>, %arg6: memref<16x128xi32, #tpu.memory_space<vmem>>, %arg7: memref<3x648xf32, #tpu.memory_space<vmem>>, %arg8: memref<3x1280xi32, #tpu.memory_space<vmem>>, %arg9: memref<3x648xf32, #tpu.memory_space<vmem>>) attributes {dimension_semantics = [#tpu.dimension_semantics<arbitrary>], iteration_bounds = array<i64: 32>, scalar_prefetch = 0 : i64, scratch_operands = 0 : i64, tpu.core_type = #tpu.core_type<tc>, window_params = [{transform_indices = @transform_0, window_bounds = array<i64: 2048, 2>}, {pipeline_mode = #tpu.pipeline_mode<synchronous>, transform_indices = @transform_1, window_bounds = array<i64: 642, 2>}, {pipeline_mode = #tpu.pipeline_mode<synchronous>, transform_indices = @transform_2, window_bounds = array<i64: 1280, 3>}, {pipeline_mode = #tpu.pipeline_mode<synchronous>, transform_indices = @transform_3, window_bounds = array<i64: 642, 3>}, {transform_indices = @transform_4, window_bounds = array<i64: 1, 2, 2048>}, {transform_indices = @transform_5, window_bounds = array<i64: 16, 128>}, {pipeline_mode = #tpu.pipeline_mode<synchronous>, transform_indices = @transform_6, window_bounds = array<i64: 3, 648>}, {pipeline_mode = #tpu.pipeline_mode<synchronous>, transform_indices = @transform_7, window_bounds = array<i64: 3, 1280>}, {pipeline_mode = #tpu.pipeline_mode<synchronous>, transform_indices = @transform_8, window_bounds = array<i64: 3, 648>}]} {
    %get3A = arith.constant 0 : index
    %get3A_0 = arith.constant 0 : index
    %get3A_1 = vector.load %arg1[%get3A, %get3A_0] : memref<2048x2xf32, #tpu.memory_space<vmem>>, vector<2048x2xf32>
    %transpose3A = tpu.transpose %get3A_1, [1, 0] : vector<2048x2xf32> -> vector<2x2048xf32>
    %broadcast_in_dim3A = vector.shape_cast %transpose3A : vector<2x2048xf32> to vector<1x2x2048xf32>
    %swap3A = arith.constant 0 : index
    %swap3A_2 = arith.constant 0 : index
    %swap3A_3 = arith.constant 0 : index
    %swap3A_4 = vector.load %arg5[%swap3A, %swap3A_2, %swap3A_3] : memref<1x2x2048xf32, #tpu.memory_space<vmem>>, vector<1x2x2048xf32>
    tpu.vector_store %arg5[%swap3A, %swap3A_2, %swap3A_3], %broadcast_in_dim3A {strides = array<i32>} : memref<1x2x2048xf32, #tpu.memory_space<vmem>>, vector<1x2x2048xf32>,
    %slice3A = vector.extract_strided_slice %transpose3A {offsets = [0, 0], sizes = [1, 2048], strides = [1, 1]} : vector<2x2048xf32> to vector<1x2048xf32>
    %slice3A_5 = vector.extract_strided_slice %transpose3A {offsets = [1, 0], sizes = [1, 2048], strides = [1, 1]} : vector<2x2048xf32> to vector<1x2048xf32>
    %mul3A = arith.constant 1.000000e+03 : f32
    %mul3A_6 = vector.broadcast %mul3A : f32 to vector<1x2048xf32>
    %mul3A_7 = arith.mulf %slice3A, %mul3A_6 : vector<1x2048xf32>
    %round3A = math.roundeven %mul3A_7 : vector<1x2048xf32>
    %convert_element_type3A = arith.fptosi %round3A : vector<1x2048xf32> to vector<1x2048xi32>
    %jit3A = arith.constant 0 : i32
    %jit3A_8 = arith.constant 1000 : i32
    %max3A = vector.broadcast %jit3A : i32 to vector<1x2048xi32>
    %max3A_9 = arith.maxsi %max3A, %convert_element_type3A : vector<1x2048xi32>
    %min3A = vector.broadcast %jit3A_8 : i32 to vector<1x2048xi32>
    %min3A_10 = arith.minsi %min3A, %max3A_9 : vector<1x2048xi32>
    %mul3A_11 = arith.constant 1.000000e+03 : f32
    %mul3A_12 = vector.broadcast %mul3A_11 : f32 to vector<1x2048xf32>
    %mul3A_13 = arith.mulf %slice3A_5, %mul3A_12 : vector<1x2048xf32>
    %round3A_14 = math.roundeven %mul3A_13 : vector<1x2048xf32>
    %convert_element_type3A_15 = arith.fptosi %round3A_14 : vector<1x2048xf32> to vector<1x2048xi32>
    %jit3A_16 = arith.constant 0 : i32
    %jit3A_17 = arith.constant 1000 : i32
    %max3A_18 = vector.broadcast %jit3A_16 : i32 to vector<1x2048xi32>
    %max3A_19 = arith.maxsi %max3A_18, %convert_element_type3A_15 : vector<1x2048xi32>
    %min3A_20 = vector.broadcast %jit3A_17 : i32 to vector<1x2048xi32>
    %min3A_21 = arith.minsi %min3A_20, %max3A_19 : vector<1x2048xi32>
    %mul3A_22 = arith.constant 1001 : i32
    %mul3A_23 = vector.broadcast %mul3A_22 : i32 to vector<1x2048xi32>
    %mul3A_24 = arith.muli %min3A_21, %mul3A_23 : vector<1x2048xi32>
    %add3A = arith.addi %mul3A_24, %min3A_10 : vector<1x2048xi32>
    %reshape3A = vector.shape_cast %add3A : vector<1x2048xi32> to vector<16x128xi32>
    %swap3A_25 = arith.constant 0 : index
    %swap3A_26 = arith.constant 0 : index
    %swap3A_27 = vector.load %arg6[%swap3A_25, %swap3A_26] : memref<16x128xi32, #tpu.memory_space<vmem>>, vector<16x128xi32>
    tpu.vector_store %arg6[%swap3A_25, %swap3A_26], %reshape3A {strides = array<i32>} : memref<16x128xi32, #tpu.memory_space<vmem>>, vector<16x128xi32>,
    %eq3A = arith.constant 0 : i32
    %eq3A_28 = arith.cmpi eq, %arg0, %eq3A : i32
    %convert_element_type3A_29 = arith.extui %eq3A_28 : i1 to i32
    %cond3A = arith.constant 0 : i32
    %cond3A_30 = arith.cmpi ne, %convert_element_type3A_29, %cond3A : i32
    scf.if %cond3A_30 {
      %get3A_31 = arith.constant 0 : index
      %get3A_32 = arith.constant 0 : index
      %get3A_33 = vector.load %arg2[%get3A_31, %get3A_32] : memref<642x2xf32, #tpu.memory_space<vmem>>, vector<642x2xf32>
      %transpose3A_34 = tpu.transpose %get3A_33, [1, 0] : vector<642x2xf32> -> vector<2x642xf32>
      %slice3A_35 = vector.extract_strided_slice %transpose3A_34 {offsets = [0, 0], sizes = [1, 642], strides = [1, 1]} : vector<2x642xf32> to vector<1x642xf32>
      %slice3A_36 = vector.extract_strided_slice %transpose3A_34 {offsets = [1, 0], sizes = [1, 642], strides = [1, 1]} : vector<2x642xf32> to vector<1x642xf32>
      %sub3A = arith.constant 5.000000e-01 : f32
      %sub3A_37 = vector.broadcast %sub3A : f32 to vector<1x642xf32>
      %sub3A_38 = arith.subf %slice3A_35, %sub3A_37 : vector<1x642xf32>
      %mul3A_39 = arith.constant 6.28318548 : f32
      %mul3A_40 = vector.broadcast %mul3A_39 : f32 to vector<1x642xf32>
      %mul3A_41 = arith.mulf %mul3A_40, %sub3A_38 : vector<1x642xf32>
      %sub3A_42 = arith.constant 5.000000e-01 : f32
      %sub3A_43 = vector.broadcast %sub3A_42 : f32 to vector<1x642xf32>
      %sub3A_44 = arith.subf %slice3A_36, %sub3A_43 : vector<1x642xf32>
      %mul3A_45 = arith.constant 3.14159274 : f32
      %mul3A_46 = vector.broadcast %mul3A_45 : f32 to vector<1x642xf32>
      %mul3A_47 = arith.mulf %mul3A_46, %sub3A_44 : vector<1x642xf32>
      %cos3A = math.cos %mul3A_47 : vector<1x642xf32>
      %cos3A_48 = math.cos %mul3A_41 : vector<1x642xf32>
      %mul3A_49 = arith.mulf %cos3A, %cos3A_48 : vector<1x642xf32>
      %sin3A = math.sin %mul3A_41 : vector<1x642xf32>
      %mul3A_50 = arith.mulf %cos3A, %sin3A : vector<1x642xf32>
      %sin3A_51 = math.sin %mul3A_47 : vector<1x642xf32>
      %concatenate3A = tpu.concatenate %mul3A_49, %mul3A_50, %sin3A_51 in 0 : vector<1x642xf32>, vector<1x642xf32>, vector<1x642xf32> -> vector<3x642xf32>
      %jit3A_52 = arith.constant 0 : i32
      %convert_element_type3A_53 = arith.sitofp %jit3A_52 : i32 to f32
      %pad3A = vector.broadcast %convert_element_type3A_53 : f32 to vector<3x6xf32>
      %pad3A_54 = tpu.concatenate %concatenate3A, %pad3A in 1 : vector<3x642xf32>, vector<3x6xf32> -> vector<3x648xf32>
      %swap3A_55 = arith.constant 0 : index
      %swap3A_56 = arith.constant 0 : index
      %swap3A_57 = vector.load %arg7[%swap3A_55, %swap3A_56] : memref<3x648xf32, #tpu.memory_space<vmem>>, vector<3x648xf32>
      tpu.vector_store %arg7[%swap3A_55, %swap3A_56], %pad3A_54 {strides = array<i32>} : memref<3x648xf32, #tpu.memory_space<vmem>>, vector<3x648xf32>,
      %get3A_58 = arith.constant 0 : index
      %get3A_59 = arith.constant 0 : index
      %get3A_60 = vector.load %arg3[%get3A_58, %get3A_59] : memref<1280x3xi32, #tpu.memory_space<vmem>>, vector<1280x3xi32>
      %transpose3A_61 = tpu.transpose %get3A_60, [1, 0] : vector<1280x3xi32> -> vector<3x1280xi32>
      %swap3A_62 = arith.constant 0 : index
      %swap3A_63 = arith.constant 0 : index
      %swap3A_64 = vector.load %arg8[%swap3A_62, %swap3A_63] : memref<3x1280xi32, #tpu.memory_space<vmem>>, vector<3x1280xi32>
      tpu.vector_store %arg8[%swap3A_62, %swap3A_63], %transpose3A_61 {strides = array<i32>} : memref<3x1280xi32, #tpu.memory_space<vmem>>, vector<3x1280xi32>,
      %get3A_65 = arith.constant 0 : index
      %get3A_66 = arith.constant 0 : index
      %get3A_67 = vector.load %arg4[%get3A_65, %get3A_66] : memref<642x3xf32, #tpu.memory_space<vmem>>, vector<642x3xf32>
      %transpose3A_68 = tpu.transpose %get3A_67, [1, 0] : vector<642x3xf32> -> vector<3x642xf32>
      %jit3A_69 = arith.constant 0 : i32
      %convert_element_type3A_70 = arith.sitofp %jit3A_69 : i32 to f32
      %pad3A_71 = vector.broadcast %convert_element_type3A_70 : f32 to vector<3x6xf32>
      %pad3A_72 = tpu.concatenate %transpose3A_68, %pad3A_71 in 1 : vector<3x642xf32>, vector<3x6xf32> -> vector<3x648xf32>
      %swap3A_73 = arith.constant 0 : index
      %swap3A_74 = arith.constant 0 : index
      %swap3A_75 = vector.load %arg9[%swap3A_73, %swap3A_74] : memref<3x648xf32, #tpu.memory_space<vmem>>, vector<3x648xf32>
      tpu.vector_store %arg9[%swap3A_73, %swap3A_74], %pad3A_72 {strides = array<i32>} : memref<3x648xf32, #tpu.memory_space<vmem>>, vector<3x648xf32>,
    } else {
    }
    return
  }
  func.func @transform_0(%arg0: i32) -> (i32, i32) {
    %c0_i32 = arith.constant 0 : i32
    %c0_i32_0 = arith.constant 0 : i32
    return %arg0, %c0_i32 : i32, i32
  }
  func.func @transform_1(%arg0: i32) -> (i32, i32) {
    %c0_i32 = arith.constant 0 : i32
    %c0_i32_0 = arith.constant 0 : i32
    %c0_i32_1 = arith.constant 0 : i32
    return %c0_i32, %c0_i32_0 : i32, i32
  }
  func.func @transform_2(%arg0: i32) -> (i32, i32) {
    %c0_i32 = arith.constant 0 : i32
    %c0_i32_0 = arith.constant 0 : i32
    %c0_i32_1 = arith.constant 0 : i32
    return %c0_i32, %c0_i32_0 : i32, i32
  }
  func.func @transform_3(%arg0: i32) -> (i32, i32) {
    %c0_i32 = arith.constant 0 : i32
    %c0_i32_0 = arith.constant 0 : i32
    %c0_i32_1 = arith.constant 0 : i32
    return %c0_i32, %c0_i32_0 : i32, i32
  }
  func.func @transform_4(%arg0: i32) -> (i32, i32, i32) {
    %c0_i32 = arith.constant 0 : i32
    %c0_i32_0 = arith.constant 0 : i32
    %c0_i32_1 = arith.constant 0 : i32
    return %arg0, %c0_i32, %c0_i32_0 : i32, i32, i32
  }
  func.func @transform_5(%arg0: i32) -> (i32, i32) {
    %c0_i32 = arith.constant 0 : i32
    %c0_i32_0 = arith.constant 0 : i32
    return %arg0, %c0_i32 : i32, i32
  }
  func.func @transform_6(%arg0: i32) -> (i32, i32) {
    %c0_i32 = arith.constant 0 : i32
    %c0_i32_0 = arith.constant 0 : i32
    %c0_i32_1 = arith.constant 0 : i32
    return %c0_i32, %c0_i32_0 : i32, i32
  }
  func.func @transform_7(%arg0: i32) -> (i32, i32) {
    %c0_i32 = arith.constant 0 : i32
    %c0_i32_0 = arith.constant 0 : i32
    %c0_i32_1 = arith.constant 0 : i32
    return %c0_i32, %c0_i32_0 : i32, i32
  }
  func.func @transform_8(%arg0: i32) -> (i32, i32) {
    %c0_i32 = arith.constant 0 : i32
    %c0_i32_0 = arith.constant 0 : i32
    %c0_i32_1 = arith.constant 0 : i32
    return %c0_i32, %c0_i32_0 : i32, i32
  }
}

</mosaic_0001>

<sc_bundles>
// kernel: kernel.5.cloned.1.call-start
scs
__scs_entry_jumppad:
0x0: {  	(pc) =	sbr.rel $0x88, $3  }
0x1: {  	(tag) =	ssettag $0x0;
	lr =	simm.s32 $0x1  }
0x2: {  	[smem:$0x3F9B] =	sst lr;
	_ =	strace $0xD0000000  }
0x3: {  	_ = 	snop  }
0x4: {  	_ = 	snop  }
0x5: {  	_ = 	snop  }
0x6: {  	_ = 	snop  }
0x7: {  	_ = 	snop  }
__scs_overlays_trampoline_lowered:
0x8: {  	[smem:$0x3FAA] =	sst s0  }
0x9: {  	[smem:$0x3FAB] =	sst s1  }
0xa: {  	[smem:$0x3FAC] =	sst s2  }
0xb: {  	[smem:$0x3FAD] =	sst s3  }
0xc: {  	[smem:$0x3FAE] =	sst s4  }
0xd: {  	[smem:$0x3FAF] =	sst s5  }
0xe: {  	[smem:$0x3FB0] =	sst s6  }
0xf: {  	[smem:$0x3FB1] =	sst s7  }
0x10: {  	[smem:$0x3FB2] =	sst s8  }
0x11: {  	[smem:$0x3FB3] =	sst s9;
	s0 =	simm.s32 @!p0 $0x0  }
0x12: {  	s1 =	sld [smem:$0x3F99];
	s0 =	simm.s32 @p0 $0x1  }
0x13: {  	[smem:$0x3FB4] =	sst s0;
	s0 =	simm.s32 @!p1 $0x0  }
0x14: {  	s2 =	sld [smem:$0x3F98];
	s0 =	simm.s32 @p1 $0x1  }
0x15: {  	[smem:$0x3FB5] =	sst s0;
	s0 =	simm.s32 @!p2 $0x0  }
0x16: {  	s3 =	sld [smem:$0x3FDB];
	s0 =	simm.s32 @p2 $0x1  }
0x17: {  	s4 =	simm.s32 $0x1BF5;
	[smem:$0x3FB7] =	sst s0  }
0x18: {  	s0 =	sld [smem:$0x3F9A];
	_ =	swait.ge [sflag:s4], $0x0  }
0x19: {  	s7 =	sld [smem:$0x3F9B]  }
0x1a: {  	s8 =	sadd.s32 $0xFFFFE003, lr  }
0x1b: {  	s9 =	sadd.s32 $0xFFFFFEF7, lr;
	s5 =	simm.s32 $0xFFFFFFFF;
	p2 =	slt.u32 s8, $0xFFFFF086  }
0x1c: {  	p1 =	slt.u32 s9, $0xF7A;
	s5 =	simm.s32 @!p2 $0x0  }
0x1d: {  	s5 =	simm.s32 @p1 $0x1;
	p0 =	seq.s32 s7, s2  }
0x1e: {  	s7 =	smul.u32 @!p0 $0xF7A, s2;
	p2 =	seq.s32 @!p0 s5, $0x0  }
0x1f: {  	s9 =	smul.u32 $0xF7A, s1;
	s8 =	simm.s32 @!p0 $0x1BF5;
	p2 =	por !p2, p0  }
0x20: {  	[sflag:s8] =	ssyncset.s32 @!p0 $0xFFFFF086;
	s6 =	sadd.s32 @!p0 s3, s7;
	s7 =	simm.s32 @!p0 $0x108  }
0x21: {  	s3 =	sadd.s32 s3, s9;
	s6 =	sadd.s32 @!p0 $0x88, s6;
	s7 =	simm.s32 @p2 $0x1082  }
0x22: {  	[simem:s7], [sflag:s8] =	dma.local @!p0 [hbm:s6], $0xF7A  }
0x23: {  	s9 =	sor.u32 $0xD0000000, s2;
	s6 =	simm.s32 $0x108;
	_ =	swait.ge @!p0 [sflag:s8], $0x0  }
0x24: {  	s3 =	sadd.s32 $0x88, s3;
	s6 =	simm.s32 @!p1 $0x1082;
	[sflag:s4] =	ssyncset.s32 $0xFFFFF086  }
0x25: {  	[simem:s6], [sflag:s4] =	dma.local [hbm:s3], $0xF7A  }
0x26: {  	[smem:$0x3F9B] =	sst s1;
	(tag) =	ssettag s2;
	_ =	strace s9  }
0x27: {  	s1 =	sld [smem:$0x3FAB]  }
0x28: {  	s2 =	sld [smem:$0x3FAC]  }
0x29: {  	s4 =	sld [smem:$0x3FAE]  }
0x2a: {  	p0 =	seq.s32 s5, $0x0;
	s5 =	sld [smem:$0x3FAF]  }
0x2b: {  	s6 =	sld [smem:$0x3FB0]  }
0x2c: {  	s7 =	sld [smem:$0x3FB1]  }
0x2d: {  	s3 =	simm.s32 $0x108;
	s8 =	sld [smem:$0x3FB2]  }
0x2e: {  	s3 =	simm.s32 @!p0 $0x1082;
	s9 =	sld [smem:$0x3FB3]  }
0x2f: {  	lr =	sadd.s32 s0, s3;
	s0 =	sld [smem:$0x3FAA]  }
0x30: {  	s3 =	sld [smem:$0x3FAD]  }
0x31: {  	[smem:$0x3FB6] =	sst s10  }
0x32: {  	s10 =	sld [smem:$0x3FB4];
	_ =	sdelay $0x3  }
0x33: {  	p0 =	seq.s32 s10, $0x1;
	s10 =	sld [smem:$0x3FB6];
	_ =	sdelay $0x3  }
0x34: {  	[smem:$0x3FB6] =	sst s10  }
0x35: {  	s10 =	sld [smem:$0x3FB5];
	_ =	sdelay $0x3  }
0x36: {  	p1 =	seq.s32 s10, $0x1;
	s10 =	sld [smem:$0x3FB6];
	_ =	sdelay $0x3  }
0x37: {  	[smem:$0x3FB6] =	sst s10  }
0x38: {  	s10 =	sld [smem:$0x3FB7]  }
0x39: {  	_ = 	snop;
	(pc) =	sbr.ind lr, $3  }
0x3a: {  	_ = 	snop  }
0x3b: {  	_ = 	snop  }
0x3c: {  	p2 =	seq.s32 s10, $0x1;
	s10 =	sld [smem:$0x3FB6]  }
0x3d: {  	_ =	shalt  }
0x3e: {  	_ =	shalt  }
0x3f: {  	_ =	shalt  }
0x40: {  	_ =	shalt  }
0x41: {  	_ =	shalt  }
0x42: {  	_ =	shalt  }
0x43: {  	_ =	shalt  }
0x44: {  	_ =	shalt  }
0x45: {  	_ =	shalt  }
0x46: {  	_ =	shalt  }
0x47: {  	_ =	shalt  }
0x48: {  	_ =	shalt  }
0x49: {  	_ =	shalt  }
0x4a: {  	_ =	shalt  }
0x4b: {  	_ =	shalt  }
0x4c: {  	_ =	shalt  }
0x4d: {  	_ =	shalt  }
0x4e: {  	_ =	shalt  }
0x4f: {  	_ =	shalt  }
0x50: {  	_ =	shalt  }
0x51: {  	_ =	shalt  }
0x52: {  	_ =	shalt  }
0x53: {  	_ =	shalt  }
0x54: {  	_ =	shalt  }
0x55: {  	_ =	shalt  }
0x56: {  	_ =	shalt  }
0x57: {  	_ =	shalt  }
0x58: {  	_ =	shalt  }
0x59: {  	_ =	shalt  }
0x5a: {  	_ =	shalt  }
0x5b: {  	_ =	shalt  }
0x5c: {  	_ =	shalt  }
0x5d: {  	_ =	shalt  }
0x5e: {  	_ =	shalt  }
0x5f: {  	_ =	shalt  }
0x60: {  	_ =	shalt  }
0x61: {  	_ =	shalt  }
0x62: {  	_ =	shalt  }
0x63: {  	_ =	shalt  }
0x64: {  	_ =	shalt  }
0x65: {  	_ =	shalt  }
0x66: {  	_ =	shalt  }
0x67: {  	_ =	shalt  }
0x68: {  	_ =	shalt  }
0x69: {  	_ =	shalt  }
0x6a: {  	_ =	shalt  }
0x6b: {  	_ =	shalt  }
0x6c: {  	_ =	shalt  }
0x6d: {  	_ =	shalt  }
0x6e: {  	_ =	shalt  }
0x6f: {  	_ =	shalt  }
0x70: {  	_ =	shalt  }
0x71: {  	_ =	shalt  }
0x72: {  	_ =	shalt  }
0x73: {  	_ =	shalt  }
0x74: {  	_ =	shalt  }
0x75: {  	_ =	shalt  }
0x76: {  	_ =	shalt  }
0x77: {  	_ =	shalt  }
0x78: {  	_ =	shalt  }
0x79: {  	_ =	shalt  }
0x7a: {  	_ =	shalt  }
0x7b: {  	_ =	shalt  }
0x7c: {  	_ =	shalt  }
0x7d: {  	_ =	shalt  }
0x7e: {  	_ =	shalt  }
0x7f: {  	_ =	shalt  }
0x80: {  	_ =	shalt  }
0x81: {  	_ =	shalt  }
0x82: {  	_ =	shalt  }
0x83: {  	_ =	shalt  }
0x84: {  	_ =	shalt  }
0x85: {  	_ =	shalt  }
0x86: {  	_ =	shalt  }
0x87: {  	_ =	shalt  }
.Lfunc_end0:
.L_simem_size_0:
called_computation_lowered:
.L_overlay_start_0:
0x88: {  	s2 =	sld [smem:$0x3FD9]  }
0x89: {  	s3 =	sld [smem:$0x3FFE];
	_ =	sdelay $0x1  }
0x8a: {  	s1 =	srdreg.scid  }
0x8b: {  	s0 =	sand.u32 $0x1, s1  }
0x8c: {  	s14 =	sshll.u32 s0, $0xA;
	s2 =	sadd.s32 s3, s2  }
0x8d: {  	s2 =	sadd.s32 s2, s14  }
0x8e: {  	[smem:$0x3FC2] =	sst s2  }
0x8f: {  	_ = 	snop  }
0x90: {  	s2 =	sld [smem:$0x3FD0];
	_ =	sdelay $0x2  }
0x91: {  	s15 =	simm.s32 $0xA;
	s4 =	simm.s32 $0x10  }
0x92: {  	[smem:s4], [sflag:s15] =	dma.local [hbm:s2], $0x1  }
0x93: {  	_ =	swait.eq [sflag:s15], $0x1  }
0x94: {  	[sflag:s15] =	ssyncset.done $0x0  }
0x95: {  	s16 =	sld [smem:$0x10];
	[sflag:s15] =	ssyncadd.s32 $0xFFFFFFFF  }
0x96: {  	s17 =	sld [smem:$0x11];
	(tm) =	ssettm $0x1  }
0x97: {  	s18 =	sld [smem:$0x3FFB];
	_ =	sdelay $0x3  }
0x98: {  	_ =	strace s18  }
0x99: {  	s4 =	sld [smem:$0x3FFC];
	_ =	sdelay $0x3  }
0x9a: {  	_ =	strace s4  }
0x9b: {  	s4 =	sld [smem:$0x3FFD];
	_ =	sdelay $0x3  }
0x9c: {  	_ =	strace s4  }
0x9d: {  	_ =	strace $0x8FFFFFFF  }
0x9e: {  	s19 =	sld [smem:$0x3FDB];
	_ =	sdelay $0x1  }
0x9f: {  	s5 =	simm.s32 $_scs_section_size  }
0xa0: {  	s6 =	simm.s32 $_size__tile_overlayer_lowered;
	s7 =	simm.s32 $_tile_overlayer_lowered  }
0xa1: {  	s22 =	simm.s32 $0x1BFF;
	s21 =	sshll.u32 s7, $0x1;
	s4 =	sadd.s32 s5, s19  }
0xa2: {  	s8 =	simm.s32 $0x0;
	s20 =	sshll.u32 s6, $0x1;
	s6 =	sadd.s32 s21, s4  }
0xa3: {  	[timem:s8], [sflag:s22] =	dma.local [hbm:s6], s20  }
0xa4: {  	_ =	swait.ge [sflag:s22], s20  }
0xa5: {  	s5 =	ssub.s32 $0x0, s20;
	[sflag:s22] =	ssyncset.done $0x0  }
0xa6: {  	[sflag:s22] =	ssyncadd.s32 s5;
	_ =	sdelay $0x1  }
0xa7: {  	s23 =	simm.s32 $0x1B8B  }
0xa8: {  	_ =	swait.ge [sflag:s23], $0x1  }
0xa9: {  	[sflag:s23] =	ssyncset.done $0x0  }
0xaa: {  	s25 =	simm.s32 $0x1B8E;
	s24 =	sld [smem:$0x3FFE];
	[sflag:s23] =	ssyncadd.s32 $0xFFFFFFFF  }
0xab: {  	s26 =	simm.s32 $execute0_lowered;
	[smem:$0x3FD2] =	sst s25  }
0xac: {  	s6 =	sshll.u32 s26, $0x1;
	_ =	strace $0x80000046;
	[dreg:$0x1] =	wrdreg $0xFFFFFFFF  }
0xad: {  	s28 =	simm.s32 $_size_execute0_lowered;
	s4 =	sadd.s32 s4, s6;
	[dreg:$0x0] =	wrdreg $0x0  }
0xae: {  	s6 =	sshll.u32 s28, $0x1;
	[dreg:$0x2] =	wrdreg s4  }
0xaf: {  	[dreg:$0x3] =	wrdreg s6  }
0xb0: {  	[dreg:$0x4] =	wrdreg $0xC0  }
0xb1: {  	_ =	task [dreg:s8], $0x5FFFF  }
0xb2: {  	[dreg:$0x1] =	wrdreg $0xFFFFFFFF  }
0xb3: {  	[dreg:$0x0] =	wrdreg $0x60  }
0xb4: {  	[dreg:$0x2] =	wrdreg s24  }
0xb5: {  	[dreg:$0x3] =	wrdreg s17  }
0xb6: {  	[dreg:$0x4] =	wrdreg s16  }
0xb7: {  	[dreg:$0x5] =	wrdreg $0x9  }
0xb8: {  	_ =	task.clear_ibuf [dreg:s8], $0x6FFFF;
	_ =	strace $0x90000046  }
0xb9: {  	s29 =	simm.s32 $0x9;
	_ =	strace $0x80000048  }
0xba: {  	_ =	swait.ge [sflag:s29], $0x1  }
0xbb: {  	[sflag:s29] =	ssyncadd.s32 $0xFFFFFFFF  }
0xbc: {  	_ =	strace $0x90000048  }
0xbd: {  	_ =	sfence  }
0xbe: {  	s30 =	sld [smem:$0x0];
	_ =	sdelay $0x2  }
0xbf: {  	s31 =	sshll.u32 s1, $0xD;
	s1 =	sshrl.u32 s1, $0x2  }
0xc0: {  	s3 =	sand.u32 $0x4000, s31;
	s1 =	sadd.s32 s1, s30  }
0xc1: {  	s0 =	sor.u32 s3, s0;
	s1 =	sshll.u32 s1, $0x11  }
0xc2: {  	s0 =	sor.u32 s1, s0  }
0xc3: {  	s0 =	sadd.s32 $0x8F2B, s0  }
0xc4: {  	[sflag:s0] =	ssyncadd.remote.s32 $0x1  }
0xc5: {  	_ =	sfence.sel $0xFFFF  }
0xc6: {  	[dreg:$0x0] =	wrdreg $0xFFFFFFFF;
	(pc) =	sbr.abs _section_cstart, $3  }
0xc7: {  	[dreg:$0x1] =	wrdreg $0xFFFFFFFF  }
0xc8: {  	_ =	task.clear_ibuf [dreg:s8], $0x2FFFF;
	_ =	strace $0x9FFFFFFF  }
0xc9: {  	(tm) =	ssettm $0x7FFFFFFF  }
tec
execute0_lowered:
.L_overlay_start_1:
0x0: {  	(tag) =	ssettag $0x1  }
0x1: {  	s0 =	rddreg [dreg:$0x0]  }
0x2: {  	s2 =	rddreg [dreg:$0x1]  }
0x3: {  	s1 =	rddreg [dreg:$0x2]  }
0x4: {  	s4 =	srdreg.scid;
	s5 =	stileid.u32  }
0x5: {  	s3 =	simm.s32 $0x0;
	s14 =	simm.s32 $0x2;
	s16 =	simm.s32 $0x2000  }
0x6: {  	s17 =	simm.s32 $0x3400;
	s18 =	simm.s32 $0x4000;
	s19 =	simm.s32 $0x80  }
0x7: {  	s21 =	simm.s32 $0x1;
	s23 =	simm.s32 $0x6C00;
	s24 =	simm.s32 $0xB400  }
0x8: {  	s25 =	simm.s32 $0xFC00;
	s26 =	simm.s32 $0x0;
	s7 =	sand.u32 $0x1, s4  }
0x9: {  	s29 =	sshll.u32 s5, $0x1;
	[smem:$0x7FF] =	sst s3;
	s5 =	sadd.s32 $0x8C00, s0  }
0xa: {  	s6 =	sadd.s32 $0x8A00, s0;
	s8 =	sor.u32 s7, s29;
	_ =	strace $0x80000047  }
0xb: {  	s7 =	ssub.s32 $0x2, s7;
	s4 =	sshll.u32 s8, $0x8;
	s10 =	smul.u32 $0x900, s8  }
0xc: {  	s30 =	sshll.u32 s8, $0x9;
	s12 =	sshrl.u32 s7, $0x1;
	s31 =	sshll.u32 s8, $0xA  }
0xd: {  	s9 =	sadd.s32 s4, s0;
	s4 =	sadd.s32 $0x8600, s0;
	s13 =	ssub.s32 s7, s12  }
0xe: {  	s11 =	sadd.s32 s10, s0;
	s0 =	sadd.s32 s30, s0;
	s7 =	sadd.s32 $0x6600, s9  }
0xf: {  	s9 =	sadd.s32 s1, s31;
	s13 =	smax.u32 s13, $0x1;
	s8 =	sadd.s32 $0x2600, s0  }
0x10: {  	s10 =	sadd.s32 $0x8E00, s11;
	s11 =	sadd.s32 $0x1AE00, s11;
	s12 =	sadd.s32 $0x2CE00, s0  }
.LBB2_1:
0x11: {  	[tilespmem:s3], [sflag:$0x2] =	stream.linear.gather [hbm4b:s7+s3], $0x800, $0x38;
	[tilespmem:$0x10C00] =	vst v63  }
0x12: {  	_ =	swait.ge [sflag:s14], $0x800  }
0x13: {  	[sflag:s14] =	ssyncset.done $0x0  }
0x14: {  	s0 =	simm.s32 $0x800;
	[sflag:s14] =	ssyncadd.s32 $0xFFFFF800  }
0x15: {  	[tilespmem:s0], [sflag:$0x2] =	stream.linear.gather [hbm4b:s8+s3], $0x1000, $0x38;
	[tilespmem:$0x10C00] =	vst v63  }
0x16: {  	_ =	swait.ge [sflag:s14], $0x1000  }
0x17: {  	[sflag:s14] =	ssyncset.done $0x0  }
0x18: {  	[sflag:s14] =	ssyncadd.s32 $0xFFFFF000  }
0x19: {  	[tilespmem:s16], [sflag:$0x2] =	stream.linear.gather [hbm4b:s4+s3], $0x1400, $0x38;
	[tilespmem:$0x10C00] =	vst v63  }
0x1a: {  	_ =	swait.ge [sflag:s14], $0x1400  }
0x1b: {  	[sflag:s14] =	ssyncset.done $0x0  }
0x1c: {  	[sflag:s14] =	ssyncadd.s32 $0xFFFFEC00  }
0x1d: {  	[tilespmem:s17], [sflag:$0x2] =	stream.linear.gather [hbm4b:s5+s3], $0xC00, $0x38;
	[tilespmem:$0x10C00] =	vst v63  }
0x1e: {  	_ =	swait.ge [sflag:s14], $0xC00  }
0x1f: {  	[sflag:s14] =	ssyncset.done $0x0  }
0x20: {  	[sflag:s14] =	ssyncadd.s32 $0xFFFFF400  }
0x21: {  	[tilespmem:s18], [sflag:$0x2] =	stream.linear.gather [hbm4b:s6+s3], $0xC00, $0x38;
	[tilespmem:$0x10C00] =	vst v63  }
0x22: {  	_ =	swait.ge [sflag:s14], $0xC00  }
0x23: {  	[sflag:s14] =	ssyncset.done $0x0  }
0x24: {  	s28 =	simm.s32 $0x1800;
	[sflag:s14] =	ssyncadd.s32 $0xFFFFF400  }
0x25: {  	[tilespmem:s28], [sflag:$0x1] =	stream.indirect.gather [hbm4b:s2+s19], $0x1, s3, s19, $0xb8;
	[tilespmem:$0x10C00] =	vst v63  }
0x26: {  	s1 =	simm.s32 $0x1880  }
0x27: {  	[tilespmem:s1], [sflag:$0x1] =	stream.indirect.gather [hbm4b:s2+s19], $0x1, s19, s19, $0xb8;
	[tilespmem:$0x10C00] =	vst v63  }
0x28: {  	s15 =	simm.s32 $0x100;
	s1 =	simm.s32 $0x1900  }
0x29: {  	[tilespmem:s1], [sflag:$0x1] =	stream.indirect.gather [hbm4b:s2+s19], $0x1, s15, s19, $0xb8;
	[tilespmem:$0x10C00] =	vst v63  }
0x2a: {  	s20 =	simm.s32 $0x180;
	s22 =	simm.s32 $0x1980  }
0x2b: {  	[tilespmem:s22], [sflag:$0x1] =	stream.indirect.gather [hbm4b:s2+s19], $0x1, s20, s19, $0xb8;
	[tilespmem:$0x10C00] =	vst v63  }
0x2c: {  	s1 =	simm.s32 $0x200;
	s15 =	simm.s32 $0x1A00  }
0x2d: {  	[tilespmem:s15], [sflag:$0x1] =	stream.indirect.gather [hbm4b:s2+s19], $0x1, s1, s19, $0xb8;
	[tilespmem:$0x10C00] =	vst v63  }
0x2e: {  	s20 =	simm.s32 $0x280;
	s22 =	simm.s32 $0x1A80  }
0x2f: {  	[tilespmem:s22], [sflag:$0x1] =	stream.indirect.gather [hbm4b:s2+s19], $0x1, s20, s19, $0xb8;
	[tilespmem:$0x10C00] =	vst v63  }
0x30: {  	s1 =	simm.s32 $0x300;
	s15 =	simm.s32 $0x1B00  }
0x31: {  	[tilespmem:s15], [sflag:$0x1] =	stream.indirect.gather [hbm4b:s2+s19], $0x1, s1, s19, $0xb8;
	[tilespmem:$0x10C00] =	vst v63  }
0x32: {  	s20 =	simm.s32 $0x380;
	s22 =	simm.s32 $0x1B80  }
0x33: {  	[tilespmem:s22], [sflag:$0x1] =	stream.indirect.gather [hbm4b:s2+s19], $0x1, s20, s19, $0xb8;
	[tilespmem:$0x10C00] =	vst v63  }
0x34: {  	s1 =	simm.s32 $0x400;
	s15 =	simm.s32 $0x1C00  }
0x35: {  	[tilespmem:s15], [sflag:$0x1] =	stream.indirect.gather [hbm4b:s2+s19], $0x1, s1, s19, $0xb8;
	[tilespmem:$0x10C00] =	vst v63  }
0x36: {  	s20 =	simm.s32 $0x480;
	s22 =	simm.s32 $0x1C80  }
0x37: {  	[tilespmem:s22], [sflag:$0x1] =	stream.indirect.gather [hbm4b:s2+s19], $0x1, s20, s19, $0xb8;
	[tilespmem:$0x10C00] =	vst v63  }
0x38: {  	s1 =	simm.s32 $0x500;
	s15 =	simm.s32 $0x1D00  }
0x39: {  	[tilespmem:s15], [sflag:$0x1] =	stream.indirect.gather [hbm4b:s2+s19], $0x1, s1, s19, $0xb8;
	[tilespmem:$0x10C00] =	vst v63  }
0x3a: {  	s20 =	simm.s32 $0x580;
	s22 =	simm.s32 $0x1D80  }
0x3b: {  	[tilespmem:s22], [sflag:$0x1] =	stream.indirect.gather [hbm4b:s2+s19], $0x1, s20, s19, $0xb8;
	[tilespmem:$0x10C00] =	vst v63  }
0x3c: {  	s1 =	simm.s32 $0x600;
	s15 =	simm.s32 $0x1E00  }
0x3d: {  	[tilespmem:s15], [sflag:$0x1] =	stream.indirect.gather [hbm4b:s2+s19], $0x1, s1, s19, $0xb8;
	[tilespmem:$0x10C00] =	vst v63  }
0x3e: {  	s20 =	simm.s32 $0x680;
	s22 =	simm.s32 $0x1E80  }
0x3f: {  	[tilespmem:s22], [sflag:$0x1] =	stream.indirect.gather [hbm4b:s2+s19], $0x1, s20, s19, $0xb8;
	[tilespmem:$0x10C00] =	vst v63  }
0x40: {  	s1 =	simm.s32 $0x700;
	s15 =	simm.s32 $0x1F00  }
0x41: {  	[tilespmem:s15], [sflag:$0x1] =	stream.indirect.gather [hbm4b:s2+s19], $0x1, s1, s19, $0xb8;
	[tilespmem:$0x10C00] =	vst v63  }
0x42: {  	s20 =	simm.s32 $0x780;
	s22 =	simm.s32 $0x1F80  }
0x43: {  	[tilespmem:s22], [sflag:$0x1] =	stream.indirect.gather [hbm4b:s2+s19], $0x1, s20, s19, $0xb8;
	[tilespmem:$0x10C00] =	vst v63  }
0x44: {  	_ =	swait.ge [sflag:s21], $0x80  }
0x45: {  	[sflag:s21] =	ssyncset.done $0x0  }
0x46: {  	[sflag:s21] =	ssyncadd.s32 $0xFFFFFF80  }
0x47: {  	_ =	swait.ge [sflag:s21], $0x80  }
0x48: {  	[sflag:s21] =	ssyncset.done $0x0  }
0x49: {  	[sflag:s21] =	ssyncadd.s32 $0xFFFFFF80  }
0x4a: {  	_ =	swait.ge [sflag:s21], $0x80  }
0x4b: {  	[sflag:s21] =	ssyncset.done $0x0  }
0x4c: {  	[sflag:s21] =	ssyncadd.s32 $0xFFFFFF80  }
0x4d: {  	_ =	swait.ge [sflag:s21], $0x80  }
0x4e: {  	[sflag:s21] =	ssyncset.done $0x0  }
0x4f: {  	[sflag:s21] =	ssyncadd.s32 $0xFFFFFF80  }
0x50: {  	_ =	swait.ge [sflag:s21], $0x80  }
0x51: {  	[sflag:s21] =	ssyncset.done $0x0  }
0x52: {  	[sflag:s21] =	ssyncadd.s32 $0xFFFFFF80  }
0x53: {  	_ =	swait.ge [sflag:s21], $0x80  }
0x54: {  	[sflag:s21] =	ssyncset.done $0x0  }
0x55: {  	[sflag:s21] =	ssyncadd.s32 $0xFFFFFF80  }
0x56: {  	_ =	swait.ge [sflag:s21], $0x80  }
0x57: {  	[sflag:s21] =	ssyncset.done $0x0  }
0x58: {  	[sflag:s21] =	ssyncadd.s32 $0xFFFFFF80  }
0x59: {  	_ =	swait.ge [sflag:s21], $0x80  }
0x5a: {  	[sflag:s21] =	ssyncset.done $0x0  }
0x5b: {  	[sflag:s21] =	ssyncadd.s32 $0xFFFFFF80  }
0x5c: {  	_ =	swait.ge [sflag:s21], $0x80  }
0x5d: {  	[sflag:s21] =	ssyncset.done $0x0  }
0x5e: {  	[sflag:s21] =	ssyncadd.s32 $0xFFFFFF80  }
0x5f: {  	_ =	swait.ge [sflag:s21], $0x80  }
0x60: {  	[sflag:s21] =	ssyncset.done $0x0  }
0x61: {  	[sflag:s21] =	ssyncadd.s32 $0xFFFFFF80  }
0x62: {  	_ =	swait.ge [sflag:s21], $0x80  }
0x63: {  	[sflag:s21] =	ssyncset.done $0x0  }
0x64: {  	[sflag:s21] =	ssyncadd.s32 $0xFFFFFF80  }
0x65: {  	_ =	swait.ge [sflag:s21], $0x80  }
0x66: {  	[sflag:s21] =	ssyncset.done $0x0  }
0x67: {  	[sflag:s21] =	ssyncadd.s32 $0xFFFFFF80  }
0x68: {  	_ =	swait.ge [sflag:s21], $0x80  }
0x69: {  	[sflag:s21] =	ssyncset.done $0x0  }
0x6a: {  	[sflag:s21] =	ssyncadd.s32 $0xFFFFFF80  }
0x6b: {  	_ =	swait.ge [sflag:s21], $0x80  }
0x6c: {  	[sflag:s21] =	ssyncset.done $0x0  }
0x6d: {  	[sflag:s21] =	ssyncadd.s32 $0xFFFFFF80  }
0x6e: {  	_ =	swait.ge [sflag:s21], $0x80  }
0x6f: {  	[sflag:s21] =	ssyncset.done $0x0  }
0x70: {  	[sflag:s21] =	ssyncadd.s32 $0xFFFFFF80  }
0x71: {  	_ =	swait.ge [sflag:s21], $0x80  }
0x72: {  	s29 =	simm.s32 $0x0;
	s30 =	simm.s32 $0x0;
	[sflag:s21] =	ssyncset.done $0x0  }
0x73: {  	s31 =	simm.s32 $0x0;
	s0 =	simm.s32 $0x0;
	[sflag:s21] =	ssyncadd.s32 $0xFFFFFF80  }
.LBB2_2:
0x74: {  	s1 =	sshll.u32 s0, $0x5  }
0x75: {  	s15 =	sand.u32 $0x70, s31;
	s1 =	sand.u32 $0x3FFFFF00, s1  }
0x76: {  	v0 =	vld [tilespmem:s28+$0x0];
	s20 =	sor.u32 s15, s1  }
0x77: {  	v1 =	vld [tilespmem:s20+$0x800];
	_ =	sdelay $0x1  }
0x78: {  	s22 =	sand.u32 $0x380, s29;
	s1 =	sand.u32 $0x400, s30  }
0x79: {  	s1 =	sor.u32 s22, s1  }
0x7a: {  	s1 =	sor.u32 s15, s1  }
0x7b: {  	v56 =	vshll.u32 v0, $0x2;
	[tilespmem:s1+$0xFC00] =	vst v1  }
0x7c: {  	v0 =	vand.u32 $0x7F, v0;
	v1 =	vand.u32 $0xFFFFFE00, v56;
	v2 =	vld [tilespmem:s20+$0x880]  }
0x7d: {  	v0 =	vor.u32 v0, v1;
	_ =	sdelay $0x3  }
0x7e: {  	[tilespmem:s1+$0x10400] =	vst v2  }
0x7f: {  	v1 =	vld.idx.msk [tilespmem:v0+s16+$0x0], $0xffff;
	_ =	sdelay $0x4  }
0x80: {  	v57 =	vshll.u32 v1, $0x2  }
0x81: {  	v3 =	vand.u32 $0x7F, v1;
	v2 =	vand.u32 $0xFFFFFE00, v57  }
0x82: {  	v2 =	vor.u32 v3, v2  }
0x83: {  	s22 =	sshll.u32 s0, $0x6  }
0x84: {  	s20 =	sand.u32 $0x3FFFFE00, s22  }
0x85: {  	s15 =	sor.u32 s15, s20  }
0x86: {  	[tilespmem:s15+$0x4C00] =	vst v1  }
0x87: {  	v1 =	vld.idx.msk [tilespmem:v2+s17+$0x0], $0xffff  }
0x88: {  	v3 =	vor.u32 $0x80, v2;
	_ =	sdelay $0x3  }
0x89: {  	[tilespmem:s1+$0x6C00] =	vst v1  }
0x8a: {  	v1 =	vld.idx.msk [tilespmem:v3+s17+$0x0], $0xffff  }
0x8b: {  	v4 =	vor.u32 $0x100, v2;
	_ =	sdelay $0x3  }
0x8c: {  	[tilespmem:s1+$0x7400] =	vst v1  }
0x8d: {  	v1 =	vld.idx.msk [tilespmem:v4+s17+$0x0], $0xffff;
	_ =	sdelay $0x4  }
0x8e: {  	[tilespmem:s1+$0x7C00] =	vst v1  }
0x8f: {  	v1 =	vld.idx.msk [tilespmem:v2+s18+$0x0], $0xffff;
	_ =	sdelay $0x4  }
0x90: {  	[tilespmem:s1+$0xB400] =	vst v1  }
0x91: {  	v1 =	vld.idx.msk [tilespmem:v3+s18+$0x0], $0xffff;
	_ =	sdelay $0x4  }
0x92: {  	[tilespmem:s1+$0xBC00] =	vst v1  }
0x93: {  	v1 =	vld.idx.msk [tilespmem:v4+s18+$0x0], $0xffff  }
0x94: {  	v58 =	vor.u32 $0x80, v0;
	_ =	sdelay $0x3  }
0x95: {  	[tilespmem:s1+$0xC400] =	vst v1  }
0x96: {  	v1 =	vld.idx.msk [tilespmem:v58+s16+$0x0], $0xffff;
	_ =	sdelay $0x4  }
0x97: {  	v2 =	vshll.u32 v1, $0x2  }
0x98: {  	v59 =	vand.u32 $0x7F, v1;
	v2 =	vand.u32 $0xFFFFFE00, v2  }
0x99: {  	v2 =	vor.u32 v59, v2;
	_ =	sdelay $0x3  }
0x9a: {  	[tilespmem:s15+$0x4C80] =	vst v1  }
0x9b: {  	v1 =	vld.idx.msk [tilespmem:v2+s17+$0x0], $0xffff  }
0x9c: {  	v3 =	vor.u32 $0x80, v2;
	_ =	sdelay $0x3  }
0x9d: {  	[tilespmem:s1+$0x8400] =	vst v1  }
0x9e: {  	v1 =	vld.idx.msk [tilespmem:v3+s17+$0x0], $0xffff  }
0x9f: {  	v60 =	vor.u32 $0x100, v2;
	_ =	sdelay $0x3  }
0xa0: {  	[tilespmem:s1+$0x8C00] =	vst v1  }
0xa1: {  	v1 =	vld.idx.msk [tilespmem:v60+s17+$0x0], $0xffff;
	_ =	sdelay $0x4  }
0xa2: {  	[tilespmem:s1+$0x9400] =	vst v1  }
0xa3: {  	v1 =	vld.idx.msk [tilespmem:v2+s18+$0x0], $0xffff;
	_ =	sdelay $0x4  }
0xa4: {  	[tilespmem:s1+$0xCC00] =	vst v1  }
0xa5: {  	v1 =	vld.idx.msk [tilespmem:v3+s18+$0x0], $0xffff;
	_ =	sdelay $0x4  }
0xa6: {  	[tilespmem:s1+$0xD400] =	vst v1  }
0xa7: {  	v1 =	vld.idx.msk [tilespmem:v60+s18+$0x0], $0xffff  }
0xa8: {  	v0 =	vor.u32 $0x100, v0;
	_ =	sdelay $0x3  }
0xa9: {  	[tilespmem:s1+$0xDC00] =	vst v1  }
0xaa: {  	v0 =	vld.idx.msk [tilespmem:v0+s16+$0x0], $0xffff;
	_ =	sdelay $0x4  }
0xab: {  	v61 =	vshll.u32 v0, $0x2  }
0xac: {  	v62 =	vand.u32 $0x7F, v0;
	v1 =	vand.u32 $0xFFFFFE00, v61  }
0xad: {  	v1 =	vor.u32 v62, v1;
	_ =	sdelay $0x3  }
0xae: {  	[tilespmem:s15+$0x4D00] =	vst v0  }
0xaf: {  	v0 =	vld.idx.msk [tilespmem:v1+s17+$0x0], $0xffff  }
0xb0: {  	v2 =	vor.u32 $0x80, v1;
	_ =	sdelay $0x3  }
0xb1: {  	[tilespmem:s1+$0x9C00] =	vst v0  }
0xb2: {  	v0 =	vld.idx.msk [tilespmem:v2+s17+$0x0], $0xffff  }
0xb3: {  	v63 =	vor.u32 $0x100, v1;
	_ =	sdelay $0x3  }
0xb4: {  	[tilespmem:s1+$0xA400] =	vst v0  }
0xb5: {  	v0 =	vld.idx.msk [tilespmem:v63+s17+$0x0], $0xffff;
	_ =	sdelay $0x4  }
0xb6: {  	[tilespmem:s1+$0xAC00] =	vst v0  }
0xb7: {  	v0 =	vld.idx.msk [tilespmem:v1+s18+$0x0], $0xffff;
	_ =	sdelay $0x4  }
0xb8: {  	[tilespmem:s1+$0xE400] =	vst v0  }
0xb9: {  	v0 =	vld.idx.msk [tilespmem:v2+s18+$0x0], $0xffff;
	_ =	sdelay $0x4  }
0xba: {  	[tilespmem:s1+$0xEC00] =	vst v0  }
0xbb: {  	p0 =	sne.s32 s0, $0x7F;
	v0 =	vld.idx.msk [tilespmem:v63+s18+$0x0], $0xffff  }
.Ltmp0:
0xbc: {  	_ = 	snop;
	(pc) =	sbr.rel @p0 .LBB2_2-.Ltmp0, $3  }
0xbd: {  	_ =	sdelay $0x1  }
0xbe: {  	s28 =	sadd.s32 $0x10, s28;
	s31 =	sadd.s32 $0x10, s31  }
0xbf: {  	s29 =	sadd.s32 $0x8, s29;
	s30 =	sadd.s32 $0x80, s30;
	s0 =	sadd.s32 $0x1, s0;
	[tilespmem:s1+$0xF400] =	vst v0  }
0xc0: {  	s0 =	simm.s32 $0x4C00  }
0xc1: {  	[hbm4b:s9+s3] =	stream.linear.scatter [tilespmem:s0], [sflag:$0x2], $0x2000, $0x38;
	[tilespmem:$0x10C00] =	vst v63  }
0xc2: {  	_ =	swait.ge [sflag:s14], $0x2000  }
0xc3: {  	[sflag:s14] =	ssyncset.done $0x0  }
0xc4: {  	[sflag:s14] =	ssyncadd.s32 $0xFFFFE000  }
0xc5: {  	[hbm4b:s10+s3] =	stream.linear.scatter [tilespmem:s23], [sflag:$0x2], $0x4800, $0x38;
	[tilespmem:$0x10C00] =	vst v63  }
0xc6: {  	_ =	swait.ge [sflag:s14], $0x4800  }
0xc7: {  	[sflag:s14] =	ssyncset.done $0x0  }
0xc8: {  	[sflag:s14] =	ssyncadd.s32 $0xFFFFB800  }
0xc9: {  	[hbm4b:s11+s3] =	stream.linear.scatter [tilespmem:s24], [sflag:$0x2], $0x4800, $0x38;
	[tilespmem:$0x10C00] =	vst v63  }
0xca: {  	s26 =	sadd.s32 $0x1, s26;
	_ =	swait.ge [sflag:s14], $0x4800  }
0xcb: {  	p0 =	sne.s32 s26, s13;
	[sflag:s14] =	ssyncset.done $0x0  }
.Ltmp1:
0xcc: {  	[sflag:s14] =	ssyncadd.s32 $0xFFFFB800;
	(pc) =	sbr.rel @p0 .LBB2_1-.Ltmp1, $4  }
0xcd: {  	[hbm4b:s12+s3] =	stream.linear.scatter [tilespmem:s25], [sflag:$0x2], $0x1000, $0x38;
	[tilespmem:$0x10C00] =	vst v63  }
0xce: {  	_ =	swait.ge [sflag:s14], $0x1000  }
0xcf: {  	[sflag:s14] =	ssyncset.done $0x0  }
0xd0: {  	[sflag:s14] =	ssyncadd.s32 $0xFFFFF000  }
0xd1: {  	_ =	sfence.sel $0x180000  }
0xd2: {  	[bflag:$0x0] =	sbarrier.arrive $0xFFFF  }
0xd3: {  	_ =	strace $0x90000047  }
0xd4: {  	s0 =	stileid.u32;
	[bflag:$0x2] =	sbarrier.arrive $0xFFFF  }
0xd5: {  	p0 =	sne.s32 s0, $0x0;
	s0 =	rddreg [dreg:$0x3]  }
0xd6: {  	s0 =	sadd.s32 @!p0 $0x100000, s0  }
0xd7: {  	[sflag:s0] =	ssyncadd.tile.s32 @!p0 $0x1;
	_ =	shalt  }
.Lfunc_end2:
_tile_overlayer_lowered:
.L_overlay_start_2:
0xd8: {  	(tag) =	ssettag $0x2  }
0xd9: {  	s0 =	rddreg [dreg:$0x0];
	s2 =	stileid.u32  }
0xda: {  	s1 =	rddreg [dreg:$0x1];
	p0 =	sne.s32 s2, $0x0  }
0xdb: {  	s3 =	rddreg [dreg:$0x2];
	[bflag:$0x3] =	sbarrier.arrive $0xFFFF;
	s2 =	simm.s32 @!p0 $0x1C02  }
0xdc: {  	[timem:s3], [sflag:s2] =	dma.local @!p0 [hbm:s0], s1  }
0xdd: {  	s0 =	simm.s32 @!p0 $0x2  }
0xde: {  	_ =	swait.ge @!p0 [sflag:s0], s1  }
0xdf: {  	s1 =	ssub.s32 @!p0 $0x0, s1;
	[sflag:s0] =	ssyncset.done @!p0 $0x0  }
0xe0: {  	[sflag:s0] =	ssyncadd.s32 @!p0 s1  }
0xe1: {  	[bflag:$0x3] =	sbarrier.arrive $0xFFFF  }
0xe2: {  	_ =	shalt  }

</sc_bundles>
